<compile_context>
chip_gen: v7x
topology: tpu7x:2x2x1
jax: 0.10.2.dev20260603
libtpu: 0.0.44.dev20260713+nightly
codegen_flags: <defaults>
</compile_context>

<pallas_src>
import functools

import jax
import jax.numpy as jnp
from jax import lax
from jax.experimental import pallas as pl
from jax.experimental.pallas import tpu as pltpu
from jax.experimental.pallas import tpu_sc as plsc

_NC = 2
_NS = 16
_NW = _NC * _NS
_D = 128
_P = 200
_SUPER = 6400
_PSUPER = _SUPER // 2
_CPS = _PSUPER // _P
_L = 16
_GPB = (_PSUPER // _L) // (_CPS // 2)


@functools.partial(jax.jit, static_argnames=("n",))
def _sc_lookup(idx_flat, pair_table, n):
    per_w = n // _NW
    pairs_w = per_w // 2
    n_super = per_w // _SUPER
    assert n_super % 2 == 0
    mesh = plsc.VectorSubcoreMesh(core_axis_name="c", subcore_axis_name="s")

    @functools.partial(
        pl.kernel,
        out_type=jax.ShapeDtypeStruct((n // 2, 2, _D), jnp.float32),
        mesh=mesh,
        scratch_types=[
            pltpu.VMEM((_SUPER,), jnp.int32),
            pltpu.VMEM((_SUPER,), jnp.int32),
            pltpu.VMEM((_PSUPER,), jnp.int32),
            pltpu.VMEM((_PSUPER,), jnp.int32),
            pltpu.VMEM((_P, 2, _D), jnp.float32),
            pltpu.VMEM((_P, 2, _D), jnp.float32),
            pltpu.VMEM_SHARED((_NS, 16, 2, _D), jnp.float32),
            pltpu.SemaphoreType.DMA,
            pltpu.SemaphoreType.DMA,
            pltpu.SemaphoreType.DMA,
            pltpu.SemaphoreType.DMA,
        ],
    )
    def k(idx_hbm, ptable_hbm, out_hbm, i0, i1, p0, p1, rows0, rows1,
          table_sh, g0, g1, s0, s1):
        sid = lax.axis_index("s")
        wid = sid * _NC + lax.axis_index("c")
        base = wid * per_w
        pbase = wid * pairs_w
        idxb = (i0, i1)
        pidxb = (p0, p1)
        rows = (rows0, rows1)
        gsem = (g0, g1)
        ssem = (s0, s1)

        mytbl = table_sh.at[sid]
        pltpu.sync_copy(ptable_hbm, mytbl)

        def gstart(pidx_v, j, b):
            pltpu.async_copy(
                mytbl.at[pidx_v.at[pl.ds(j * _P, _P)]], rows[b], gsem[b])

        def gwait(b):
            pltpu.make_async_copy(
                mytbl.at[p0.at[pl.ds(0, _P)]], rows[b], gsem[b]).wait()

        def sstart(off, b):
            pltpu.async_copy(rows[b], out_hbm.at[pl.ds(off, _P)], ssem[b])

        def swait(b):
            pltpu.make_async_copy(
                rows[b], out_hbm.at[pl.ds(pbase, _P)], ssem[b]).wait()

        lanes = lax.iota(jnp.int32, _L)
        swp = lanes ^ 1
        evens = (2 * lanes) & (_L - 1)
        lo_half = lanes < (_L // 2)
        _dn = lax.GatherDimensionNumbers(
            offset_dims=(), collapsed_slice_dims=(0,), start_index_map=(0,))

        def xlane(v, pat):
            return lax.gather(v, pat[:, None], _dn, (1,),
                              mode=lax.GatherScatterMode.PROMISE_IN_BOUNDS)

        def compute_pidx(src_i, dst_p, g_lo, count):
            @pl.loop(0, count)
            def _(gg):
                g = g_lo + gg
                va = src_i[pl.ds(g * 2 * _L, _L)]
                vb = src_i[pl.ds(g * 2 * _L + _L, _L)]
                ta = 4 * va + xlane(va, swp)
                tb = 4 * vb + xlane(vb, swp)
                pa = xlane(ta, evens)
                pb = xlane(tb, evens)
                dst_p[pl.ds(g * _L, _L)] = jnp.where(lo_half, pa, pb)

        pltpu.sync_copy(idx_hbm.at[pl.ds(base, _SUPER)], idxb[0])
        compute_pidx(idxb[0], pidxb[0], 0, _PSUPER // _L)

        @pl.loop(0, n_super, step=2)
        def _(s):
            for half in (0, 1):
                sh = s + half
                cur, nxt = half, 1 - half
                sbase = pbase + sh * _PSUPER
                more = sh + 1 < n_super

                gstart(pidxb[cur], 0, 0)
                if half == 0:
                    pltpu.sync_copy(
                        idx_hbm.at[pl.ds(base + (sh + 1) * _SUPER, _SUPER)],
                        idxb[nxt])
                else:
                    @pl.when(more)
                    def _():
                        pltpu.sync_copy(
                            idx_hbm.at[
                                pl.ds(base + (sh + 1) * _SUPER, _SUPER)],
                            idxb[nxt])

                _G1 = _GPB // 2
                _G2 = _GPB - _G1

                @pl.loop(0, _CPS, step=2)
                def _(j, cur=cur, nxt=nxt, sbase=sbase, half=half, more=more):
                    @pl.when(j > 0)
                    def _():
                        swait(1)
                    gstart(pidxb[cur], j + 1, 1)
                    gwait(0)
                    sstart(sbase + j * _P, 0)
                    if half == 0:
                        compute_pidx(idxb[nxt], pidxb[nxt],
                                     (j // 2) * _GPB, _G1)
                    else:
                        @pl.when(more)
                        def _():
                            compute_pidx(idxb[nxt], pidxb[nxt],
                                         (j // 2) * _GPB, _G1)
                    swait(0)

                    @pl.when(j + 2 < _CPS)
                    def _():
                        gstart(pidxb[cur], j + 2, 0)
                    gwait(1)
                    sstart(sbase + (j + 1) * _P, 1)
                    if half == 0:
                        compute_pidx(idxb[nxt], pidxb[nxt],
                                     (j // 2) * _GPB + _G1, _G2)
                    else:
                        @pl.when(more)
                        def _():
                            compute_pidx(idxb[nxt], pidxb[nxt],
                                         (j // 2) * _GPB + _G1, _G2)

                swait(1)

    return k(idx_flat, pair_table)


def kernel(inputs, table):
    b, l = inputs.shape
    n = b * l
    table = table.at[2].set(0.0)
    pair_table = jnp.concatenate(
        [jnp.repeat(table, 4, axis=0), jnp.tile(table, (4, 1))],
        axis=1).reshape(16, 2, _D)
    out = _sc_lookup(inputs.reshape(n), pair_table, n)
    return out.reshape(b, l, _D)

# --- scband reference (transcript-rebuilt; emitter-appended) ---
"""Pipeline reference for scband-mate-pair-embedding-layer-51049981280692 (READ-ONLY COPY).

The authoritative reference and input builder live on the scoring server;
editing this copy changes nothing except your own understanding.
"""

import jax, jax.numpy as jnp
import numpy as np

PADDING_IDX = 2
NUM_EMBEDDINGS = 4
EMBEDDING_DIM = 128


def setup_inputs(seed: int = 0) -> dict:
    key = jax.random.key(seed)
    k1, k2 = jax.random.split(key)
    inputs = jax.random.randint(k1, (16384, 200), 0, 4, dtype=jnp.int64 if jax.config.jax_enable_x64 else jnp.int32).astype(jnp.int32)
    table = jax.random.normal(k2, (NUM_EMBEDDINGS, EMBEDDING_DIM), dtype=jnp.float32)
    # torch nn.Embedding with padding_idx initializes the padding row to zeros
    table = table.at[PADDING_IDX].set(0.0)
    return {"inputs": inputs, "table": table}


def reference(inputs, table):
    # embedding lookup (gather)
    embeddings = jnp.take(table, inputs, axis=0)  # [B, L, D]
    # zero out padding positions, same as the torch forward
    padding_mask = (inputs != PADDING_IDX)[..., None].astype(jnp.float32)
    embeddings = embeddings * padding_mask
    return embeddings

if __name__ == "__main__":
    import jax
    _d = setup_inputs()
    print(jax.jit(kernel)(*tuple(_d.values())))

</pallas_src>

<mosaic_0001>
#map = affine_map<(d0, d1) -> (0)>
#map1 = affine_map<(d0, d1) -> (0, 0, 0)>
module attributes {stable_mosaic.version = 14 : i64} {
  func.func @k(%arg0: i32, %arg1: i32, %arg2: memref<3276800xi32, #tpu.memory_space<hbm>>, %arg3: memref<16x2x128xf32, #tpu.memory_space<hbm>>, %arg4: memref<1638400x2x128xf32, #tpu.memory_space<hbm>>, %arg5: memref<6400xi32, #tpu.memory_space<vmem>>, %arg6: memref<6400xi32, #tpu.memory_space<vmem>>, %arg7: memref<3200xi32, #tpu.memory_space<vmem>>, %arg8: memref<3200xi32, #tpu.memory_space<vmem>>, %arg9: memref<200x2x128xf32, #tpu.memory_space<vmem>>, %arg10: memref<200x2x128xf32, #tpu.memory_space<vmem>>, %arg11: memref<16x16x2x128xf32, #tpu.memory_space<vmem_shared>>, %arg12: memref<!tpu.dma_semaphore, #tpu.memory_space<semaphore_mem>>, %arg13: memref<!tpu.dma_semaphore, #tpu.memory_space<semaphore_mem>>, %arg14: memref<!tpu.dma_semaphore, #tpu.memory_space<semaphore_mem>>, %arg15: memref<!tpu.dma_semaphore, #tpu.memory_space<semaphore_mem>>) attributes {dimension_semantics = [#tpu.dimension_semantics<core_parallel>, #tpu.dimension_semantics<subcore_parallel>], iteration_bounds = array<i64: 2, 16>, scalar_prefetch = 0 : i64, scratch_operands = 11 : i64, tpu.core_type = #tpu.core_type<sc_vector_subcore>, window_params = [{transform_indices = #map}, {transform_indices = #map1}, {transform_indices = #map1}]} {
    %mul3A = arith.constant 2 : i32
    %mul3A_0 = arith.muli %arg1, %mul3A : i32
    %add3A = arith.addi %mul3A_0, %arg0 : i32
    %mul3A_1 = arith.constant 102400 : i32
    %mul3A_2 = arith.muli %add3A, %mul3A_1 : i32
    %mul3A_3 = arith.constant 51200 : i32
    %mul3A_4 = arith.muli %add3A, %mul3A_3 : i32
    "tpu.region"() ({
      %run_scoped3A = tpu.sem_alloc : memref<!tpu.dma_semaphore, #tpu.memory_space<semaphore_mem>>
      %dma_start3A = arith.constant 0 : i32
      %dma_start3A_23 = arith.constant 0 : i32
      %dma_start3A_24 = arith.constant 0 : i32
      %dma_start3A_25 = tpu.memref_slice %arg11[%arg1, %dma_start3A, %dma_start3A_23, %dma_start3A_24] : memref<16x16x2x128xf32, #tpu.memory_space<vmem_shared>> -> memref<1x16x2x128xf32, #tpu.memory_space<vmem_shared>>
      %dma_start3A_26 = tpu.memref_squeeze %dma_start3A_25 : memref<1x16x2x128xf32, #tpu.memory_space<vmem_shared>> -> memref<16x2x128xf32, #tpu.memory_space<vmem_shared>>
      tpu.enqueue_dma source(%arg3 : memref<16x2x128xf32, #tpu.memory_space<hbm>>) target(%dma_start3A_26 : memref<16x2x128xf32, #tpu.memory_space<vmem_shared>>) target_semaphore(%run_scoped3A : memref<!tpu.dma_semaphore, #tpu.memory_space<semaphore_mem>>)
      %dma_wait3A = arith.constant 0 : i32
      %dma_wait3A_27 = arith.constant 0 : i32
      %dma_wait3A_28 = arith.constant 0 : i32
      %dma_wait3A_29 = tpu.memref_slice %arg11[%arg1, %dma_wait3A, %dma_wait3A_27, %dma_wait3A_28] : memref<16x16x2x128xf32, #tpu.memory_space<vmem_shared>> -> memref<1x16x2x128xf32, #tpu.memory_space<vmem_shared>>
      %dma_wait3A_30 = tpu.memref_squeeze %dma_wait3A_29 : memref<1x16x2x128xf32, #tpu.memory_space<vmem_shared>> -> memref<16x2x128xf32, #tpu.memory_space<vmem_shared>>
      tpu.wait_dma2 semaphore(%run_scoped3A : memref<!tpu.dma_semaphore, #tpu.memory_space<semaphore_mem>>) src(%arg3 : memref<16x2x128xf32, #tpu.memory_space<hbm>>) dst(%dma_wait3A_30 : memref<16x2x128xf32, #tpu.memory_space<vmem_shared>>)
      tpu.yield
    }) : () -> ()
    %iota3A = tpu.iota {dimensions = array<i32: 0>} : vector<16xi32>
    %xor3A = arith.constant 1 : i32
    %xor3A_5 = vector.broadcast %xor3A : i32 to vector<16xi32>
    %xor3A_6 = arith.xori %iota3A, %xor3A_5 : vector<16xi32>
    %mul3A_7 = arith.constant 2 : i32
    %mul3A_8 = vector.broadcast %mul3A_7 : i32 to vector<16xi32>
    %mul3A_9 = arith.muli %mul3A_8, %iota3A : vector<16xi32>
    %and3A = arith.constant 15 : i32
    %and3A_10 = vector.broadcast %and3A : i32 to vector<16xi32>
    %and3A_11 = arith.andi %mul3A_9, %and3A_10 : vector<16xi32>
    %lt3A = arith.constant 8 : i32
    %lt3A_12 = vector.broadcast %lt3A : i32 to vector<16xi32>
    %lt3A_13 = arith.cmpi slt, %iota3A, %lt3A_12 : vector<16xi32>
    "tpu.region"() ({
      %run_scoped3A = tpu.sem_alloc : memref<!tpu.dma_semaphore, #tpu.memory_space<semaphore_mem>>
      %dma_start3A = tpu.memref_slice %arg2[%mul3A_2] : memref<3276800xi32, #tpu.memory_space<hbm>> -> memref<6400xi32, #tpu.memory_space<hbm>>
      %dma_start3A_23 = tpu.memref_slice %arg2[%mul3A_2] : memref<3276800xi32, #tpu.memory_space<hbm>> -> memref<6400xi32, #tpu.memory_space<hbm>>
      tpu.enqueue_dma source(%dma_start3A_23 : memref<6400xi32, #tpu.memory_space<hbm>>) target(%arg5 : memref<6400xi32, #tpu.memory_space<vmem>>) target_semaphore(%run_scoped3A : memref<!tpu.dma_semaphore, #tpu.memory_space<semaphore_mem>>)
      %dma_wait3A = tpu.memref_slice %arg2[%mul3A_2] : memref<3276800xi32, #tpu.memory_space<hbm>> -> memref<6400xi32, #tpu.memory_space<hbm>>
      %dma_wait3A_24 = tpu.memref_slice %arg2[%mul3A_2] : memref<3276800xi32, #tpu.memory_space<hbm>> -> memref<6400xi32, #tpu.memory_space<hbm>>
      tpu.wait_dma2 semaphore(%run_scoped3A : memref<!tpu.dma_semaphore, #tpu.memory_space<semaphore_mem>>) src(%dma_wait3A_24 : memref<6400xi32, #tpu.memory_space<hbm>>) dst(%arg5 : memref<6400xi32, #tpu.memory_space<vmem>>)
      tpu.yield
    }) : () -> ()
    %scan3A = arith.constant 0 : i32
    %scan3A_14 = arith.constant 200 : i32
    %scan3A_15 = arith.addi %scan3A, %scan3A_14 : i32
    %scan3A_16 = arith.constant 1 : i32
    scf.for %scan3A_23 = %scan3A to %scan3A_15 step %scan3A_16  : i32 {
      %mul3A_24 = arith.constant 1 : i32
      %mul3A_25 = arith.muli %scan3A_23, %mul3A_24 : i32
      %add3A_26 = arith.constant 0 : i32
      %add3A_27 = arith.addi %add3A_26, %mul3A_25 : i32
      %add3A_28 = arith.constant 0 : i32
      %add3A_29 = arith.addi %add3A_28, %add3A_27 : i32
      %mul3A_30 = arith.constant 2 : i32
      %mul3A_31 = arith.muli %add3A_29, %mul3A_30 : i32
      %mul3A_32 = arith.constant 16 : i32
      %mul3A_33 = arith.muli %mul3A_31, %mul3A_32 : i32
      %get3A = arith.index_cast %mul3A_33 : i32 to index
      %get3A_34 = tpu.vector_load %arg5[%get3A] {strides = array<i32>} : memref<6400xi32, #tpu.memory_space<vmem>>, vector<16xi32>,
      %get3A_35 = vector.shape_cast %get3A_34 : vector<16xi32> to vector<16xi32>
      %mul3A_36 = arith.constant 2 : i32
      %mul3A_37 = arith.muli %add3A_29, %mul3A_36 : i32
      %mul3A_38 = arith.constant 16 : i32
      %mul3A_39 = arith.muli %mul3A_37, %mul3A_38 : i32
      %add3A_40 = arith.constant 16 : i32
      %add3A_41 = arith.addi %mul3A_39, %add3A_40 : i32
      %get3A_42 = arith.index_cast %add3A_41 : i32 to index
      %get3A_43 = tpu.vector_load %arg5[%get3A_42] {strides = array<i32>} : memref<6400xi32, #tpu.memory_space<vmem>>, vector<16xi32>,
      %get3A_44 = vector.shape_cast %get3A_43 : vector<16xi32> to vector<16xi32>
      %mul3A_45 = arith.constant 4 : i32
      %mul3A_46 = vector.broadcast %mul3A_45 : i32 to vector<16xi32>
      %mul3A_47 = arith.muli %mul3A_46, %get3A_35 : vector<16xi32>
      %broadcast_in_dim3A = vector.shape_cast %xor3A_6 : vector<16xi32> to vector<16x1xi32>
      %gather3A = vector.shape_cast %broadcast_in_dim3A : vector<16x1xi32> to vector<16xi32>
      %gather3A_48 = tpu.dynamic_gather %get3A_35[%gather3A] in [0] : vector<16xi32>, vector<16xi32> -> vector<16xi32>
      %add3A_49 = arith.addi %mul3A_47, %gather3A_48 : vector<16xi32>
      %mul3A_50 = arith.constant 4 : i32
      %mul3A_51 = vector.broadcast %mul3A_50 : i32 to vector<16xi32>
      %mul3A_52 = arith.muli %mul3A_51, %get3A_44 : vector<16xi32>
      %broadcast_in_dim3A_53 = vector.shape_cast %xor3A_6 : vector<16xi32> to vector<16x1xi32>
      %gather3A_54 = vector.shape_cast %broadcast_in_dim3A_53 : vector<16x1xi32> to vector<16xi32>
      %gather3A_55 = tpu.dynamic_gather %get3A_44[%gather3A_54] in [0] : vector<16xi32>, vector<16xi32> -> vector<16xi32>
      %add3A_56 = arith.addi %mul3A_52, %gather3A_55 : vector<16xi32>
      %broadcast_in_dim3A_57 = vector.shape_cast %and3A_11 : vector<16xi32> to vector<16x1xi32>
      %gather3A_58 = vector.shape_cast %broadcast_in_dim3A_57 : vector<16x1xi32> to vector<16xi32>
      %gather3A_59 = tpu.dynamic_gather %add3A_49[%gather3A_58] in [0] : vector<16xi32>, vector<16xi32> -> vector<16xi32>
      %broadcast_in_dim3A_60 = vector.shape_cast %and3A_11 : vector<16xi32> to vector<16x1xi32>
      %gather3A_61 = vector.shape_cast %broadcast_in_dim3A_60 : vector<16x1xi32> to vector<16xi32>
      %gather3A_62 = tpu.dynamic_gather %add3A_56[%gather3A_61] in [0] : vector<16xi32>, vector<16xi32> -> vector<16xi32>
      %select_n3A = arith.select %lt3A_13, %gather3A_59, %gather3A_62 : vector<16xi1>, vector<16xi32>
      %mul3A_63 = arith.constant 16 : i32
      %mul3A_64 = arith.muli %add3A_29, %mul3A_63 : i32
      %swap3A = arith.index_cast %mul3A_64 : i32 to index
      %swap3A_65 = tpu.vector_load %arg7[%swap3A] {strides = array<i32>} : memref<3200xi32, #tpu.memory_space<vmem>>, vector<16xi32>,
      %swap3A_66 = vector.shape_cast %swap3A_65 : vector<16xi32> to vector<16xi32>
      %swap3A_67 = vector.shape_cast %select_n3A : vector<16xi32> to vector<16xi32>
      tpu.vector_store %arg7[%swap3A], %swap3A_67 {strides = array<i32>} : memref<3200xi32, #tpu.memory_space<vmem>>, vector<16xi32>,
    }
    %scan3A_17 = arith.constant 200 : i32
    %scan3A_18 = arith.constant 0 : i32
    %scan3A_19 = arith.constant 8 : i32
    %scan3A_20 = arith.addi %scan3A_18, %scan3A_19 : i32
    %scan3A_21 = arith.constant 1 : i32
    scf.for %scan3A_23 = %scan3A_18 to %scan3A_20 step %scan3A_21  : i32 {
      %mul3A_24 = arith.constant 2 : i32
      %mul3A_25 = arith.muli %scan3A_23, %mul3A_24 : i32
      %add3A_26 = arith.constant 0 : i32
      %add3A_27 = arith.addi %add3A_26, %mul3A_25 : i32
      %add3A_28 = arith.constant 0 : i32
      %add3A_29 = arith.addi %add3A_27, %add3A_28 : i32
      %mul3A_30 = arith.constant 3200 : i32
      %mul3A_31 = arith.muli %add3A_29, %mul3A_30 : i32
      %add3A_32 = arith.addi %mul3A_4, %mul3A_31 : i32
      %add3A_33 = arith.constant 1 : i32
      %add3A_34 = arith.addi %add3A_29, %add3A_33 : i32
      %lt3A_35 = arith.constant 16 : i32
      %lt3A_36 = arith.cmpi slt, %add3A_34, %lt3A_35 : i32
      %dma_start3A = arith.constant 0 : i32
      %dma_start3A_37 = tpu.memref_slice %arg7[%dma_start3A] : memref<3200xi32, #tpu.memory_space<vmem>> -> memref<200xi32, #tpu.memory_space<vmem>>
      %dma_start3A_38 = arith.constant 0 : i32
      %dma_start3A_39 = arith.constant 0 : i32
      %dma_start3A_40 = arith.constant 0 : i32
      %dma_start3A_41 = tpu.memref_slice %arg11[%arg1, %dma_start3A_38, %dma_start3A_39, %dma_start3A_40] : memref<16x16x2x128xf32, #tpu.memory_space<vmem_shared>> -> memref<1x16x2x128xf32, #tpu.memory_space<vmem_shared>>
      %dma_start3A_42 = tpu.memref_squeeze %dma_start3A_41 : memref<1x16x2x128xf32, #tpu.memory_space<vmem_shared>> -> memref<16x2x128xf32, #tpu.memory_space<vmem_shared>>
      %dma_start3A_43 = arith.constant 0 : i32
      %dma_start3A_44 = arith.constant 0 : i32
      %dma_start3A_45 = arith.constant 0 : i32
      %dma_start3A_46 = tpu.memref_slice %dma_start3A_42[%dma_start3A_43, %dma_start3A_44, %dma_start3A_45] : memref<16x2x128xf32, #tpu.memory_space<vmem_shared>> -> memref<16x2x128xf32, #tpu.memory_space<vmem_shared>>
      tpu.enqueue_indirect_dma source(%dma_start3A_46 : memref<16x2x128xf32, #tpu.memory_space<vmem_shared>>) target(%arg9 : memref<200x2x128xf32, #tpu.memory_space<vmem>>) offsets(%dma_start3A_37 : memref<200xi32, #tpu.memory_space<vmem>>) semaphore(%arg12 : memref<!tpu.dma_semaphore, #tpu.memory_space<semaphore_mem>>)
      %add3A_47 = arith.constant 1 : i32
      %add3A_48 = arith.addi %add3A_29, %add3A_47 : i32
      %mul3A_49 = arith.constant 6400 : i32
      %mul3A_50 = arith.muli %add3A_48, %mul3A_49 : i32
      %add3A_51 = arith.addi %mul3A_2, %mul3A_50 : i32
      "tpu.region"() ({
        %run_scoped3A = tpu.sem_alloc : memref<!tpu.dma_semaphore, #tpu.memory_space<semaphore_mem>>
        %dma_start3A_94 = tpu.memref_slice %arg2[%add3A_51] : memref<3276800xi32, #tpu.memory_space<hbm>> -> memref<6400xi32, #tpu.memory_space<hbm>>
        %dma_start3A_95 = tpu.memref_slice %arg2[%add3A_51] : memref<3276800xi32, #tpu.memory_space<hbm>> -> memref<6400xi32, #tpu.memory_space<hbm>>
        tpu.enqueue_dma source(%dma_start3A_95 : memref<6400xi32, #tpu.memory_space<hbm>>) target(%arg6 : memref<6400xi32, #tpu.memory_space<vmem>>) target_semaphore(%run_scoped3A : memref<!tpu.dma_semaphore, #tpu.memory_space<semaphore_mem>>)
        %dma_wait3A_96 = tpu.memref_slice %arg2[%add3A_51] : memref<3276800xi32, #tpu.memory_space<hbm>> -> memref<6400xi32, #tpu.memory_space<hbm>>
        %dma_wait3A_97 = tpu.memref_slice %arg2[%add3A_51] : memref<3276800xi32, #tpu.memory_space<hbm>> -> memref<6400xi32, #tpu.memory_space<hbm>>
        tpu.wait_dma2 semaphore(%run_scoped3A : memref<!tpu.dma_semaphore, #tpu.memory_space<semaphore_mem>>) src(%dma_wait3A_97 : memref<6400xi32, #tpu.memory_space<hbm>>) dst(%arg6 : memref<6400xi32, #tpu.memory_space<vmem>>)
        tpu.yield
      }) : () -> ()
      %scan3A_52 = arith.constant 0 : i32
      %scan3A_53 = arith.constant 8 : i32
      %scan3A_54 = arith.addi %scan3A_52, %scan3A_53 : i32
      %scan3A_55 = arith.constant 1 : i32
      scf.for %scan3A_94 = %scan3A_52 to %scan3A_54 step %scan3A_55  : i32 {
        %mul3A_95 = arith.constant 2 : i32
        %mul3A_96 = arith.muli %scan3A_94, %mul3A_95 : i32
        %add3A_97 = arith.constant 0 : i32
        %add3A_98 = arith.addi %add3A_97, %mul3A_96 : i32
        %gt3A = arith.constant 0 : i32
        %gt3A_99 = arith.cmpi sgt, %add3A_98, %gt3A : i32
        %convert_element_type3A_100 = arith.extui %gt3A_99 : i1 to i32
        %cond3A_101 = arith.constant 0 : i32
        %cond3A_102 = arith.cmpi ne, %convert_element_type3A_100, %cond3A_101 : i32
        scf.if %cond3A_102 {
          %dma_wait3A_229 = arith.constant 0 : i32
          %dma_wait3A_230 = arith.constant 0 : i32
          %dma_wait3A_231 = tpu.memref_slice %arg4[%mul3A_4, %dma_wait3A_229, %dma_wait3A_230] : memref<1638400x2x128xf32, #tpu.memory_space<hbm>> -> memref<200x2x128xf32, #tpu.memory_space<hbm>>
          %dma_wait3A_232 = arith.constant 0 : i32
          %dma_wait3A_233 = arith.constant 0 : i32
          %dma_wait3A_234 = tpu.memref_slice %arg4[%mul3A_4, %dma_wait3A_232, %dma_wait3A_233] : memref<1638400x2x128xf32, #tpu.memory_space<hbm>> -> memref<200x2x128xf32, #tpu.memory_space<hbm>>
          tpu.wait_dma2 semaphore(%arg15 : memref<!tpu.dma_semaphore, #tpu.memory_space<semaphore_mem>>) src(%arg10 : memref<200x2x128xf32, #tpu.memory_space<vmem>>) dst(%dma_wait3A_234 : memref<200x2x128xf32, #tpu.memory_space<hbm>>)
        } else {
        }
        %add3A_103 = arith.constant 1 : i32
        %add3A_104 = arith.addi %add3A_98, %add3A_103 : i32
        %mul3A_105 = arith.constant 200 : i32
        %mul3A_106 = arith.muli %add3A_104, %mul3A_105 : i32
        %dma_start3A_107 = tpu.memref_slice %arg7[%mul3A_106] : memref<3200xi32, #tpu.memory_space<vmem>> -> memref<200xi32, #tpu.memory_space<vmem>>
        %dma_start3A_108 = arith.constant 0 : i32
        %dma_start3A_109 = arith.constant 0 : i32
        %dma_start3A_110 = arith.constant 0 : i32
        %dma_start3A_111 = tpu.memref_slice %arg11[%arg1, %dma_start3A_108, %dma_start3A_109, %dma_start3A_110] : memref<16x16x2x128xf32, #tpu.memory_space<vmem_shared>> -> memref<1x16x2x128xf32, #tpu.memory_space<vmem_shared>>
        %dma_start3A_112 = tpu.memref_squeeze %dma_start3A_111 : memref<1x16x2x128xf32, #tpu.memory_space<vmem_shared>> -> memref<16x2x128xf32, #tpu.memory_space<vmem_shared>>
        %dma_start3A_113 = arith.constant 0 : i32
        %dma_start3A_114 = arith.constant 0 : i32
        %dma_start3A_115 = arith.constant 0 : i32
        %dma_start3A_116 = tpu.memref_slice %dma_start3A_112[%dma_start3A_113, %dma_start3A_114, %dma_start3A_115] : memref<16x2x128xf32, #tpu.memory_space<vmem_shared>> -> memref<16x2x128xf32, #tpu.memory_space<vmem_shared>>
        tpu.enqueue_indirect_dma source(%dma_start3A_116 : memref<16x2x128xf32, #tpu.memory_space<vmem_shared>>) target(%arg10 : memref<200x2x128xf32, #tpu.memory_space<vmem>>) offsets(%dma_start3A_107 : memref<200xi32, #tpu.memory_space<vmem>>) semaphore(%arg13 : memref<!tpu.dma_semaphore, #tpu.memory_space<semaphore_mem>>)
        %dma_wait3A_117 = arith.constant 0 : i32
        %dma_wait3A_118 = tpu.memref_slice %arg7[%dma_wait3A_117] : memref<3200xi32, #tpu.memory_space<vmem>> -> memref<200xi32, #tpu.memory_space<vmem>>
        %dma_wait3A_119 = arith.constant 0 : i32
        %dma_wait3A_120 = arith.constant 0 : i32
        %dma_wait3A_121 = arith.constant 0 : i32
        %dma_wait3A_122 = tpu.memref_slice %arg11[%arg1, %dma_wait3A_119, %dma_wait3A_120, %dma_wait3A_121] : memref<16x16x2x128xf32, #tpu.memory_space<vmem_shared>> -> memref<1x16x2x128xf32, #tpu.memory_space<vmem_shared>>
        %dma_wait3A_123 = tpu.memref_squeeze %dma_wait3A_122 : memref<1x16x2x128xf32, #tpu.memory_space<vmem_shared>> -> memref<16x2x128xf32, #tpu.memory_space<vmem_shared>>
        %dma_wait3A_124 = arith.constant 0 : i32
        %dma_wait3A_125 = arith.constant 0 : i32
        %dma_wait3A_126 = arith.constant 0 : i32
        %dma_wait3A_127 = tpu.memref_slice %dma_wait3A_123[%dma_wait3A_124, %dma_wait3A_125, %dma_wait3A_126] : memref<16x2x128xf32, #tpu.memory_space<vmem_shared>> -> memref<16x2x128xf32, #tpu.memory_space<vmem_shared>>
        tpu.wait_indirect_dma semaphore(%arg12 : memref<!tpu.dma_semaphore, #tpu.memory_space<semaphore_mem>>) src(%dma_wait3A_127 : memref<16x2x128xf32, #tpu.memory_space<vmem_shared>>) dst(%arg9 : memref<200x2x128xf32, #tpu.memory_space<vmem>>)
        %mul3A_128 = arith.constant 200 : i32
        %mul3A_129 = arith.muli %add3A_98, %mul3A_128 : i32
        %add3A_130 = arith.addi %add3A_32, %mul3A_129 : i32
        %dma_start3A_131 = arith.constant 0 : i32
        %dma_start3A_132 = arith.constant 0 : i32
        %dma_start3A_133 = tpu.memref_slice %arg4[%add3A_130, %dma_start3A_131, %dma_start3A_132] : memref<1638400x2x128xf32, #tpu.memory_space<hbm>> -> memref<200x2x128xf32, #tpu.memory_space<hbm>>
        %dma_start3A_134 = arith.constant 0 : i32
        %dma_start3A_135 = arith.constant 0 : i32
        %dma_start3A_136 = tpu.memref_slice %arg4[%add3A_130, %dma_start3A_134, %dma_start3A_135] : memref<1638400x2x128xf32, #tpu.memory_space<hbm>> -> memref<200x2x128xf32, #tpu.memory_space<hbm>>
        tpu.enqueue_dma source(%arg9 : memref<200x2x128xf32, #tpu.memory_space<vmem>>) target(%dma_start3A_136 : memref<200x2x128xf32, #tpu.memory_space<hbm>>) target_semaphore(%arg14 : memref<!tpu.dma_semaphore, #tpu.memory_space<semaphore_mem>>)
        %jit3A = arith.constant 2 : i32
        %div3A = arith.divsi %add3A_98, %jit3A : i32
        %sign3A = arith.constant 0 : i32
        %sign3A_137 = arith.cmpi sgt, %add3A_98, %sign3A : i32
        %sign3A_138 = arith.extui %sign3A_137 : i1 to i32
        %sign3A_139 = arith.constant 0 : i32
        %sign3A_140 = arith.cmpi slt, %add3A_98, %sign3A_139 : i32
        %sign3A_141 = arith.extui %sign3A_140 : i1 to i32
        %sign3A_142 = arith.subi %sign3A_138, %sign3A_141 : i32
        %sign3A_143 = arith.constant 0 : i32
        %sign3A_144 = arith.cmpi sgt, %jit3A, %sign3A_143 : i32
        %sign3A_145 = arith.extui %sign3A_144 : i1 to i32
        %sign3A_146 = arith.constant 0 : i32
        %sign3A_147 = arith.cmpi slt, %jit3A, %sign3A_146 : i32
        %sign3A_148 = arith.extui %sign3A_147 : i1 to i32
        %sign3A_149 = arith.subi %sign3A_145, %sign3A_148 : i32
        %ne3A = arith.cmpi ne, %sign3A_142, %sign3A_149 : i32
        %rem3A = arith.remsi %add3A_98, %jit3A : i32
        %ne3A_150 = arith.constant 0 : i32
        %ne3A_151 = arith.cmpi ne, %rem3A, %ne3A_150 : i32
        %and3A_152 = arith.andi %ne3A, %ne3A_151 : i1
        %sub3A = arith.constant 1 : i32
        %sub3A_153 = arith.subi %div3A, %sub3A : i32
        %select_n3A = arith.select %and3A_152, %sub3A_153, %div3A : i32
        %mul3A_154 = arith.constant 25 : i32
        %mul3A_155 = arith.muli %select_n3A, %mul3A_154 : i32
        %scan3A_156 = arith.constant 0 : i32
        %scan3A_157 = arith.constant 12 : i32
        %scan3A_158 = arith.addi %scan3A_156, %scan3A_157 : i32
        %scan3A_159 = arith.constant 1 : i32
        scf.for %scan3A_229 = %scan3A_156 to %scan3A_158 step %scan3A_159  : i32 {
          %mul3A_230 = arith.constant 1 : i32
          %mul3A_231 = arith.muli %scan3A_229, %mul3A_230 : i32
          %add3A_232 = arith.constant 0 : i32
          %add3A_233 = arith.addi %add3A_232, %mul3A_231 : i32
          %add3A_234 = arith.addi %mul3A_155, %add3A_233 : i32
          %mul3A_235 = arith.constant 2 : i32
          %mul3A_236 = arith.muli %add3A_234, %mul3A_235 : i32
          %mul3A_237 = arith.constant 16 : i32
          %mul3A_238 = arith.muli %mul3A_236, %mul3A_237 : i32
          %get3A = arith.index_cast %mul3A_238 : i32 to index
          %get3A_239 = tpu.vector_load %arg6[%get3A] {strides = array<i32>} : memref<6400xi32, #tpu.memory_space<vmem>>, vector<16xi32>,
          %get3A_240 = vector.shape_cast %get3A_239 : vector<16xi32> to vector<16xi32>
          %mul3A_241 = arith.constant 2 : i32
          %mul3A_242 = arith.muli %add3A_234, %mul3A_241 : i32
          %mul3A_243 = arith.constant 16 : i32
          %mul3A_244 = arith.muli %mul3A_242, %mul3A_243 : i32
          %add3A_245 = arith.constant 16 : i32
          %add3A_246 = arith.addi %mul3A_244, %add3A_245 : i32
          %get3A_247 = arith.index_cast %add3A_246 : i32 to index
          %get3A_248 = tpu.vector_load %arg6[%get3A_247] {strides = array<i32>} : memref<6400xi32, #tpu.memory_space<vmem>>, vector<16xi32>,
          %get3A_249 = vector.shape_cast %get3A_248 : vector<16xi32> to vector<16xi32>
          %mul3A_250 = arith.constant 4 : i32
          %mul3A_251 = vector.broadcast %mul3A_250 : i32 to vector<16xi32>
          %mul3A_252 = arith.muli %mul3A_251, %get3A_240 : vector<16xi32>
          %broadcast_in_dim3A = vector.shape_cast %xor3A_6 : vector<16xi32> to vector<16x1xi32>
          %gather3A = vector.shape_cast %broadcast_in_dim3A : vector<16x1xi32> to vector<16xi32>
          %gather3A_253 = tpu.dynamic_gather %get3A_240[%gather3A] in [0] : vector<16xi32>, vector<16xi32> -> vector<16xi32>
          %add3A_254 = arith.addi %mul3A_252, %gather3A_253 : vector<16xi32>
          %mul3A_255 = arith.constant 4 : i32
          %mul3A_256 = vector.broadcast %mul3A_255 : i32 to vector<16xi32>
          %mul3A_257 = arith.muli %mul3A_256, %get3A_249 : vector<16xi32>
          %broadcast_in_dim3A_258 = vector.shape_cast %xor3A_6 : vector<16xi32> to vector<16x1xi32>
          %gather3A_259 = vector.shape_cast %broadcast_in_dim3A_258 : vector<16x1xi32> to vector<16xi32>
          %gather3A_260 = tpu.dynamic_gather %get3A_249[%gather3A_259] in [0] : vector<16xi32>, vector<16xi32> -> vector<16xi32>
          %add3A_261 = arith.addi %mul3A_257, %gather3A_260 : vector<16xi32>
          %broadcast_in_dim3A_262 = vector.shape_cast %and3A_11 : vector<16xi32> to vector<16x1xi32>
          %gather3A_263 = vector.shape_cast %broadcast_in_dim3A_262 : vector<16x1xi32> to vector<16xi32>
          %gather3A_264 = tpu.dynamic_gather %add3A_254[%gather3A_263] in [0] : vector<16xi32>, vector<16xi32> -> vector<16xi32>
          %broadcast_in_dim3A_265 = vector.shape_cast %and3A_11 : vector<16xi32> to vector<16x1xi32>
          %gather3A_266 = vector.shape_cast %broadcast_in_dim3A_265 : vector<16x1xi32> to vector<16xi32>
          %gather3A_267 = tpu.dynamic_gather %add3A_261[%gather3A_266] in [0] : vector<16xi32>, vector<16xi32> -> vector<16xi32>
          %select_n3A_268 = arith.select %lt3A_13, %gather3A_264, %gather3A_267 : vector<16xi1>, vector<16xi32>
          %mul3A_269 = arith.constant 16 : i32
          %mul3A_270 = arith.muli %add3A_234, %mul3A_269 : i32
          %swap3A = arith.index_cast %mul3A_270 : i32 to index
          %swap3A_271 = tpu.vector_load %arg8[%swap3A] {strides = array<i32>} : memref<3200xi32, #tpu.memory_space<vmem>>, vector<16xi32>,
          %swap3A_272 = vector.shape_cast %swap3A_271 : vector<16xi32> to vector<16xi32>
          %swap3A_273 = vector.shape_cast %select_n3A_268 : vector<16xi32> to vector<16xi32>
          tpu.vector_store %arg8[%swap3A], %swap3A_273 {strides = array<i32>} : memref<3200xi32, #tpu.memory_space<vmem>>, vector<16xi32>,
        }
        %scan3A_160 = arith.constant 12 : i32
        %dma_wait3A_161 = arith.constant 0 : i32
        %dma_wait3A_162 = arith.constant 0 : i32
        %dma_wait3A_163 = tpu.memref_slice %arg4[%mul3A_4, %dma_wait3A_161, %dma_wait3A_162] : memref<1638400x2x128xf32, #tpu.memory_space<hbm>> -> memref<200x2x128xf32, #tpu.memory_space<hbm>>
        %dma_wait3A_164 = arith.constant 0 : i32
        %dma_wait3A_165 = arith.constant 0 : i32
        %dma_wait3A_166 = tpu.memref_slice %arg4[%mul3A_4, %dma_wait3A_164, %dma_wait3A_165] : memref<1638400x2x128xf32, #tpu.memory_space<hbm>> -> memref<200x2x128xf32, #tpu.memory_space<hbm>>
        tpu.wait_dma2 semaphore(%arg14 : memref<!tpu.dma_semaphore, #tpu.memory_space<semaphore_mem>>) src(%arg9 : memref<200x2x128xf32, #tpu.memory_space<vmem>>) dst(%dma_wait3A_166 : memref<200x2x128xf32, #tpu.memory_space<hbm>>)
        %add3A_167 = arith.constant 2 : i32
        %add3A_168 = arith.addi %add3A_98, %add3A_167 : i32
        %lt3A_169 = arith.constant 16 : i32
        %lt3A_170 = arith.cmpi slt, %add3A_168, %lt3A_169 : i32
        %convert_element_type3A_171 = arith.extui %lt3A_170 : i1 to i32
        %cond3A_172 = arith.constant 0 : i32
        %cond3A_173 = arith.cmpi ne, %convert_element_type3A_171, %cond3A_172 : i32
        scf.if %cond3A_173 {
          %add3A_229 = arith.constant 2 : i32
          %add3A_230 = arith.addi %add3A_98, %add3A_229 : i32
          %mul3A_231 = arith.constant 200 : i32
          %mul3A_232 = arith.muli %add3A_230, %mul3A_231 : i32
          %dma_start3A_233 = tpu.memref_slice %arg7[%mul3A_232] : memref<3200xi32, #tpu.memory_space<vmem>> -> memref<200xi32, #tpu.memory_space<vmem>>
          %dma_start3A_234 = arith.constant 0 : i32
          %dma_start3A_235 = arith.constant 0 : i32
          %dma_start3A_236 = arith.constant 0 : i32
          %dma_start3A_237 = tpu.memref_slice %arg11[%arg1, %dma_start3A_234, %dma_start3A_235, %dma_start3A_236] : memref<16x16x2x128xf32, #tpu.memory_space<vmem_shared>> -> memref<1x16x2x128xf32, #tpu.memory_space<vmem_shared>>
          %dma_start3A_238 = tpu.memref_squeeze %dma_start3A_237 : memref<1x16x2x128xf32, #tpu.memory_space<vmem_shared>> -> memref<16x2x128xf32, #tpu.memory_space<vmem_shared>>
          %dma_start3A_239 = arith.constant 0 : i32
          %dma_start3A_240 = arith.constant 0 : i32
          %dma_start3A_241 = arith.constant 0 : i32
          %dma_start3A_242 = tpu.memref_slice %dma_start3A_238[%dma_start3A_239, %dma_start3A_240, %dma_start3A_241] : memref<16x2x128xf32, #tpu.memory_space<vmem_shared>> -> memref<16x2x128xf32, #tpu.memory_space<vmem_shared>>
          tpu.enqueue_indirect_dma source(%dma_start3A_242 : memref<16x2x128xf32, #tpu.memory_space<vmem_shared>>) target(%arg9 : memref<200x2x128xf32, #tpu.memory_space<vmem>>) offsets(%dma_start3A_233 : memref<200xi32, #tpu.memory_space<vmem>>) semaphore(%arg12 : memref<!tpu.dma_semaphore, #tpu.memory_space<semaphore_mem>>)
        } else {
        }
        %dma_wait3A_174 = arith.constant 0 : i32
        %dma_wait3A_175 = tpu.memref_slice %arg7[%dma_wait3A_174] : memref<3200xi32, #tpu.memory_space<vmem>> -> memref<200xi32, #tpu.memory_space<vmem>>
        %dma_wait3A_176 = arith.constant 0 : i32
        %dma_wait3A_177 = arith.constant 0 : i32
        %dma_wait3A_178 = arith.constant 0 : i32
        %dma_wait3A_179 = tpu.memref_slice %arg11[%arg1, %dma_wait3A_176, %dma_wait3A_177, %dma_wait3A_178] : memref<16x16x2x128xf32, #tpu.memory_space<vmem_shared>> -> memref<1x16x2x128xf32, #tpu.memory_space<vmem_shared>>
        %dma_wait3A_180 = tpu.memref_squeeze %dma_wait3A_179 : memref<1x16x2x128xf32, #tpu.memory_space<vmem_shared>> -> memref<16x2x128xf32, #tpu.memory_space<vmem_shared>>
        %dma_wait3A_181 = arith.constant 0 : i32
        %dma_wait3A_182 = arith.constant 0 : i32
        %dma_wait3A_183 = arith.constant 0 : i32
        %dma_wait3A_184 = tpu.memref_slice %dma_wait3A_180[%dma_wait3A_181, %dma_wait3A_182, %dma_wait3A_183] : memref<16x2x128xf32, #tpu.memory_space<vmem_shared>> -> memref<16x2x128xf32, #tpu.memory_space<vmem_shared>>
        tpu.wait_indirect_dma semaphore(%arg13 : memref<!tpu.dma_semaphore, #tpu.memory_space<semaphore_mem>>) src(%dma_wait3A_184 : memref<16x2x128xf32, #tpu.memory_space<vmem_shared>>) dst(%arg10 : memref<200x2x128xf32, #tpu.memory_space<vmem>>)
        %add3A_185 = arith.constant 1 : i32
        %add3A_186 = arith.addi %add3A_98, %add3A_185 : i32
        %mul3A_187 = arith.constant 200 : i32
        %mul3A_188 = arith.muli %add3A_186, %mul3A_187 : i32
        %add3A_189 = arith.addi %add3A_32, %mul3A_188 : i32
        %dma_start3A_190 = arith.constant 0 : i32
        %dma_start3A_191 = arith.constant 0 : i32
        %dma_start3A_192 = tpu.memref_slice %arg4[%add3A_189, %dma_start3A_190, %dma_start3A_191] : memref<1638400x2x128xf32, #tpu.memory_space<hbm>> -> memref<200x2x128xf32, #tpu.memory_space<hbm>>
        %dma_start3A_193 = arith.constant 0 : i32
        %dma_start3A_194 = arith.constant 0 : i32
        %dma_start3A_195 = tpu.memref_slice %arg4[%add3A_189, %dma_start3A_193, %dma_start3A_194] : memref<1638400x2x128xf32, #tpu.memory_space<hbm>> -> memref<200x2x128xf32, #tpu.memory_space<hbm>>
        tpu.enqueue_dma source(%arg10 : memref<200x2x128xf32, #tpu.memory_space<vmem>>) target(%dma_start3A_195 : memref<200x2x128xf32, #tpu.memory_space<hbm>>) target_semaphore(%arg15 : memref<!tpu.dma_semaphore, #tpu.memory_space<semaphore_mem>>)
        %jit3A_196 = arith.constant 2 : i32
        %div3A_197 = arith.divsi %add3A_98, %jit3A_196 : i32
        %sign3A_198 = arith.constant 0 : i32
        %sign3A_199 = arith.cmpi sgt, %add3A_98, %sign3A_198 : i32
        %sign3A_200 = arith.extui %sign3A_199 : i1 to i32
        %sign3A_201 = arith.constant 0 : i32
        %sign3A_202 = arith.cmpi slt, %add3A_98, %sign3A_201 : i32
        %sign3A_203 = arith.extui %sign3A_202 : i1 to i32
        %sign3A_204 = arith.subi %sign3A_200, %sign3A_203 : i32
        %sign3A_205 = arith.constant 0 : i32
        %sign3A_206 = arith.cmpi sgt, %jit3A_196, %sign3A_205 : i32
        %sign3A_207 = arith.extui %sign3A_206 : i1 to i32
        %sign3A_208 = arith.constant 0 : i32
        %sign3A_209 = arith.cmpi slt, %jit3A_196, %sign3A_208 : i32
        %sign3A_210 = arith.extui %sign3A_209 : i1 to i32
        %sign3A_211 = arith.subi %sign3A_207, %sign3A_210 : i32
        %ne3A_212 = arith.cmpi ne, %sign3A_204, %sign3A_211 : i32
        %rem3A_213 = arith.remsi %add3A_98, %jit3A_196 : i32
        %ne3A_214 = arith.constant 0 : i32
        %ne3A_215 = arith.cmpi ne, %rem3A_213, %ne3A_214 : i32
        %and3A_216 = arith.andi %ne3A_212, %ne3A_215 : i1
        %sub3A_217 = arith.constant 1 : i32
        %sub3A_218 = arith.subi %div3A_197, %sub3A_217 : i32
        %select_n3A_219 = arith.select %and3A_216, %sub3A_218, %div3A_197 : i32
        %mul3A_220 = arith.constant 25 : i32
        %mul3A_221 = arith.muli %select_n3A_219, %mul3A_220 : i32
        %add3A_222 = arith.constant 12 : i32
        %add3A_223 = arith.addi %mul3A_221, %add3A_222 : i32
        %scan3A_224 = arith.constant 0 : i32
        %scan3A_225 = arith.constant 13 : i32
        %scan3A_226 = arith.addi %scan3A_224, %scan3A_225 : i32
        %scan3A_227 = arith.constant 1 : i32
        scf.for %scan3A_229 = %scan3A_224 to %scan3A_226 step %scan3A_227  : i32 {
          %mul3A_230 = arith.constant 1 : i32
          %mul3A_231 = arith.muli %scan3A_229, %mul3A_230 : i32
          %add3A_232 = arith.constant 0 : i32
          %add3A_233 = arith.addi %add3A_232, %mul3A_231 : i32
          %add3A_234 = arith.addi %add3A_223, %add3A_233 : i32
          %mul3A_235 = arith.constant 2 : i32
          %mul3A_236 = arith.muli %add3A_234, %mul3A_235 : i32
          %mul3A_237 = arith.constant 16 : i32
          %mul3A_238 = arith.muli %mul3A_236, %mul3A_237 : i32
          %get3A = arith.index_cast %mul3A_238 : i32 to index
          %get3A_239 = tpu.vector_load %arg6[%get3A] {strides = array<i32>} : memref<6400xi32, #tpu.memory_space<vmem>>, vector<16xi32>,
          %get3A_240 = vector.shape_cast %get3A_239 : vector<16xi32> to vector<16xi32>
          %mul3A_241 = arith.constant 2 : i32
          %mul3A_242 = arith.muli %add3A_234, %mul3A_241 : i32
          %mul3A_243 = arith.constant 16 : i32
          %mul3A_244 = arith.muli %mul3A_242, %mul3A_243 : i32
          %add3A_245 = arith.constant 16 : i32
          %add3A_246 = arith.addi %mul3A_244, %add3A_245 : i32
          %get3A_247 = arith.index_cast %add3A_246 : i32 to index
          %get3A_248 = tpu.vector_load %arg6[%get3A_247] {strides = array<i32>} : memref<6400xi32, #tpu.memory_space<vmem>>, vector<16xi32>,
          %get3A_249 = vector.shape_cast %get3A_248 : vector<16xi32> to vector<16xi32>
          %mul3A_250 = arith.constant 4 : i32
          %mul3A_251 = vector.broadcast %mul3A_250 : i32 to vector<16xi32>
          %mul3A_252 = arith.muli %mul3A_251, %get3A_240 : vector<16xi32>
          %broadcast_in_dim3A = vector.shape_cast %xor3A_6 : vector<16xi32> to vector<16x1xi32>
          %gather3A = vector.shape_cast %broadcast_in_dim3A : vector<16x1xi32> to vector<16xi32>
          %gather3A_253 = tpu.dynamic_gather %get3A_240[%gather3A] in [0] : vector<16xi32>, vector<16xi32> -> vector<16xi32>
          %add3A_254 = arith.addi %mul3A_252, %gather3A_253 : vector<16xi32>
          %mul3A_255 = arith.constant 4 : i32
          %mul3A_256 = vector.broadcast %mul3A_255 : i32 to vector<16xi32>
          %mul3A_257 = arith.muli %mul3A_256, %get3A_249 : vector<16xi32>
          %broadcast_in_dim3A_258 = vector.shape_cast %xor3A_6 : vector<16xi32> to vector<16x1xi32>
          %gather3A_259 = vector.shape_cast %broadcast_in_dim3A_258 : vector<16x1xi32> to vector<16xi32>
          %gather3A_260 = tpu.dynamic_gather %get3A_249[%gather3A_259] in [0] : vector<16xi32>, vector<16xi32> -> vector<16xi32>
          %add3A_261 = arith.addi %mul3A_257, %gather3A_260 : vector<16xi32>
          %broadcast_in_dim3A_262 = vector.shape_cast %and3A_11 : vector<16xi32> to vector<16x1xi32>
          %gather3A_263 = vector.shape_cast %broadcast_in_dim3A_262 : vector<16x1xi32> to vector<16xi32>
          %gather3A_264 = tpu.dynamic_gather %add3A_254[%gather3A_263] in [0] : vector<16xi32>, vector<16xi32> -> vector<16xi32>
          %broadcast_in_dim3A_265 = vector.shape_cast %and3A_11 : vector<16xi32> to vector<16x1xi32>
          %gather3A_266 = vector.shape_cast %broadcast_in_dim3A_265 : vector<16x1xi32> to vector<16xi32>
          %gather3A_267 = tpu.dynamic_gather %add3A_261[%gather3A_266] in [0] : vector<16xi32>, vector<16xi32> -> vector<16xi32>
          %select_n3A_268 = arith.select %lt3A_13, %gather3A_264, %gather3A_267 : vector<16xi1>, vector<16xi32>
          %mul3A_269 = arith.constant 16 : i32
          %mul3A_270 = arith.muli %add3A_234, %mul3A_269 : i32
          %swap3A = arith.index_cast %mul3A_270 : i32 to index
          %swap3A_271 = tpu.vector_load %arg8[%swap3A] {strides = array<i32>} : memref<3200xi32, #tpu.memory_space<vmem>>, vector<16xi32>,
          %swap3A_272 = vector.shape_cast %swap3A_271 : vector<16xi32> to vector<16xi32>
          %swap3A_273 = vector.shape_cast %select_n3A_268 : vector<16xi32> to vector<16xi32>
          tpu.vector_store %arg8[%swap3A], %swap3A_273 {strides = array<i32>} : memref<3200xi32, #tpu.memory_space<vmem>>, vector<16xi32>,
        }
        %scan3A_228 = arith.constant 13 : i32
      }
      %scan3A_56 = arith.constant 8 : i32
      %dma_wait3A = arith.constant 0 : i32
      %dma_wait3A_57 = arith.constant 0 : i32
      %dma_wait3A_58 = tpu.memref_slice %arg4[%mul3A_4, %dma_wait3A, %dma_wait3A_57] : memref<1638400x2x128xf32, #tpu.memory_space<hbm>> -> memref<200x2x128xf32, #tpu.memory_space<hbm>>
      %dma_wait3A_59 = arith.constant 0 : i32
      %dma_wait3A_60 = arith.constant 0 : i32
      %dma_wait3A_61 = tpu.memref_slice %arg4[%mul3A_4, %dma_wait3A_59, %dma_wait3A_60] : memref<1638400x2x128xf32, #tpu.memory_space<hbm>> -> memref<200x2x128xf32, #tpu.memory_space<hbm>>
      tpu.wait_dma2 semaphore(%arg15 : memref<!tpu.dma_semaphore, #tpu.memory_space<semaphore_mem>>) src(%arg10 : memref<200x2x128xf32, #tpu.memory_space<vmem>>) dst(%dma_wait3A_61 : memref<200x2x128xf32, #tpu.memory_space<hbm>>)
      %add3A_62 = arith.constant 1 : i32
      %add3A_63 = arith.addi %add3A_27, %add3A_62 : i32
      %mul3A_64 = arith.constant 3200 : i32
      %mul3A_65 = arith.muli %add3A_63, %mul3A_64 : i32
      %add3A_66 = arith.addi %mul3A_4, %mul3A_65 : i32
      %add3A_67 = arith.constant 1 : i32
      %add3A_68 = arith.addi %add3A_63, %add3A_67 : i32
      %lt3A_69 = arith.constant 16 : i32
      %lt3A_70 = arith.cmpi slt, %add3A_68, %lt3A_69 : i32
      %dma_start3A_71 = arith.constant 0 : i32
      %dma_start3A_72 = tpu.memref_slice %arg8[%dma_start3A_71] : memref<3200xi32, #tpu.memory_space<vmem>> -> memref<200xi32, #tpu.memory_space<vmem>>
      %dma_start3A_73 = arith.constant 0 : i32
      %dma_start3A_74 = arith.constant 0 : i32
      %dma_start3A_75 = arith.constant 0 : i32
      %dma_start3A_76 = tpu.memref_slice %arg11[%arg1, %dma_start3A_73, %dma_start3A_74, %dma_start3A_75] : memref<16x16x2x128xf32, #tpu.memory_space<vmem_shared>> -> memref<1x16x2x128xf32, #tpu.memory_space<vmem_shared>>
      %dma_start3A_77 = tpu.memref_squeeze %dma_start3A_76 : memref<1x16x2x128xf32, #tpu.memory_space<vmem_shared>> -> memref<16x2x128xf32, #tpu.memory_space<vmem_shared>>
      %dma_start3A_78 = arith.constant 0 : i32
      %dma_start3A_79 = arith.constant 0 : i32
      %dma_start3A_80 = arith.constant 0 : i32
      %dma_start3A_81 = tpu.memref_slice %dma_start3A_77[%dma_start3A_78, %dma_start3A_79, %dma_start3A_80] : memref<16x2x128xf32, #tpu.memory_space<vmem_shared>> -> memref<16x2x128xf32, #tpu.memory_space<vmem_shared>>
      tpu.enqueue_indirect_dma source(%dma_start3A_81 : memref<16x2x128xf32, #tpu.memory_space<vmem_shared>>) target(%arg9 : memref<200x2x128xf32, #tpu.memory_space<vmem>>) offsets(%dma_start3A_72 : memref<200xi32, #tpu.memory_space<vmem>>) semaphore(%arg12 : memref<!tpu.dma_semaphore, #tpu.memory_space<semaphore_mem>>)
      %convert_element_type3A = arith.extui %lt3A_70 : i1 to i32
      %cond3A = arith.constant 0 : i32
      %cond3A_82 = arith.cmpi ne, %convert_element_type3A, %cond3A : i32
      scf.if %cond3A_82 {
        %add3A_94 = arith.constant 1 : i32
        %add3A_95 = arith.addi %add3A_63, %add3A_94 : i32
        %mul3A_96 = arith.constant 6400 : i32
        %mul3A_97 = arith.muli %add3A_95, %mul3A_96 : i32
        %add3A_98 = arith.addi %mul3A_2, %mul3A_97 : i32
        "tpu.region"() ({
          %run_scoped3A = tpu.sem_alloc : memref<!tpu.dma_semaphore, #tpu.memory_space<semaphore_mem>>
          %dma_start3A_99 = tpu.memref_slice %arg2[%add3A_98] : memref<3276800xi32, #tpu.memory_space<hbm>> -> memref<6400xi32, #tpu.memory_space<hbm>>
          %dma_start3A_100 = tpu.memref_slice %arg2[%add3A_98] : memref<3276800xi32, #tpu.memory_space<hbm>> -> memref<6400xi32, #tpu.memory_space<hbm>>
          tpu.enqueue_dma source(%dma_start3A_100 : memref<6400xi32, #tpu.memory_space<hbm>>) target(%arg5 : memref<6400xi32, #tpu.memory_space<vmem>>) target_semaphore(%run_scoped3A : memref<!tpu.dma_semaphore, #tpu.memory_space<semaphore_mem>>)
          %dma_wait3A_101 = tpu.memref_slice %arg2[%add3A_98] : memref<3276800xi32, #tpu.memory_space<hbm>> -> memref<6400xi32, #tpu.memory_space<hbm>>
          %dma_wait3A_102 = tpu.memref_slice %arg2[%add3A_98] : memref<3276800xi32, #tpu.memory_space<hbm>> -> memref<6400xi32, #tpu.memory_space<hbm>>
          tpu.wait_dma2 semaphore(%run_scoped3A : memref<!tpu.dma_semaphore, #tpu.memory_space<semaphore_mem>>) src(%dma_wait3A_102 : memref<6400xi32, #tpu.memory_space<hbm>>) dst(%arg5 : memref<6400xi32, #tpu.memory_space<vmem>>)
          tpu.yield
        }) : () -> ()
      } else {
      }
      %scan3A_83 = arith.constant 0 : i32
      %scan3A_84 = arith.constant 8 : i32
      %scan3A_85 = arith.addi %scan3A_83, %scan3A_84 : i32
      %scan3A_86 = arith.constant 1 : i32
      scf.for %scan3A_94 = %scan3A_83 to %scan3A_85 step %scan3A_86  : i32 {
        %mul3A_95 = arith.constant 2 : i32
        %mul3A_96 = arith.muli %scan3A_94, %mul3A_95 : i32
        %add3A_97 = arith.constant 0 : i32
        %add3A_98 = arith.addi %add3A_97, %mul3A_96 : i32
        %gt3A = arith.constant 0 : i32
        %gt3A_99 = arith.cmpi sgt, %add3A_98, %gt3A : i32
        %convert_element_type3A_100 = arith.extui %gt3A_99 : i1 to i32
        %cond3A_101 = arith.constant 0 : i32
        %cond3A_102 = arith.cmpi ne, %convert_element_type3A_100, %cond3A_101 : i32
        scf.if %cond3A_102 {
          %dma_wait3A_178 = arith.constant 0 : i32
          %dma_wait3A_179 = arith.constant 0 : i32
          %dma_wait3A_180 = tpu.memref_slice %arg4[%mul3A_4, %dma_wait3A_178, %dma_wait3A_179] : memref<1638400x2x128xf32, #tpu.memory_space<hbm>> -> memref<200x2x128xf32, #tpu.memory_space<hbm>>
          %dma_wait3A_181 = arith.constant 0 : i32
          %dma_wait3A_182 = arith.constant 0 : i32
          %dma_wait3A_183 = tpu.memref_slice %arg4[%mul3A_4, %dma_wait3A_181, %dma_wait3A_182] : memref<1638400x2x128xf32, #tpu.memory_space<hbm>> -> memref<200x2x128xf32, #tpu.memory_space<hbm>>
          tpu.wait_dma2 semaphore(%arg15 : memref<!tpu.dma_semaphore, #tpu.memory_space<semaphore_mem>>) src(%arg10 : memref<200x2x128xf32, #tpu.memory_space<vmem>>) dst(%dma_wait3A_183 : memref<200x2x128xf32, #tpu.memory_space<hbm>>)
        } else {
        }
        %add3A_103 = arith.constant 1 : i32
        %add3A_104 = arith.addi %add3A_98, %add3A_103 : i32
        %mul3A_105 = arith.constant 200 : i32
        %mul3A_106 = arith.muli %add3A_104, %mul3A_105 : i32
        %dma_start3A_107 = tpu.memref_slice %arg8[%mul3A_106] : memref<3200xi32, #tpu.memory_space<vmem>> -> memref<200xi32, #tpu.memory_space<vmem>>
        %dma_start3A_108 = arith.constant 0 : i32
        %dma_start3A_109 = arith.constant 0 : i32
        %dma_start3A_110 = arith.constant 0 : i32
        %dma_start3A_111 = tpu.memref_slice %arg11[%arg1, %dma_start3A_108, %dma_start3A_109, %dma_start3A_110] : memref<16x16x2x128xf32, #tpu.memory_space<vmem_shared>> -> memref<1x16x2x128xf32, #tpu.memory_space<vmem_shared>>
        %dma_start3A_112 = tpu.memref_squeeze %dma_start3A_111 : memref<1x16x2x128xf32, #tpu.memory_space<vmem_shared>> -> memref<16x2x128xf32, #tpu.memory_space<vmem_shared>>
        %dma_start3A_113 = arith.constant 0 : i32
        %dma_start3A_114 = arith.constant 0 : i32
        %dma_start3A_115 = arith.constant 0 : i32
        %dma_start3A_116 = tpu.memref_slice %dma_start3A_112[%dma_start3A_113, %dma_start3A_114, %dma_start3A_115] : memref<16x2x128xf32, #tpu.memory_space<vmem_shared>> -> memref<16x2x128xf32, #tpu.memory_space<vmem_shared>>
        tpu.enqueue_indirect_dma source(%dma_start3A_116 : memref<16x2x128xf32, #tpu.memory_space<vmem_shared>>) target(%arg10 : memref<200x2x128xf32, #tpu.memory_space<vmem>>) offsets(%dma_start3A_107 : memref<200xi32, #tpu.memory_space<vmem>>) semaphore(%arg13 : memref<!tpu.dma_semaphore, #tpu.memory_space<semaphore_mem>>)
        %dma_wait3A_117 = arith.constant 0 : i32
        %dma_wait3A_118 = tpu.memref_slice %arg7[%dma_wait3A_117] : memref<3200xi32, #tpu.memory_space<vmem>> -> memref<200xi32, #tpu.memory_space<vmem>>
        %dma_wait3A_119 = arith.constant 0 : i32
        %dma_wait3A_120 = arith.constant 0 : i32
        %dma_wait3A_121 = arith.constant 0 : i32
        %dma_wait3A_122 = tpu.memref_slice %arg11[%arg1, %dma_wait3A_119, %dma_wait3A_120, %dma_wait3A_121] : memref<16x16x2x128xf32, #tpu.memory_space<vmem_shared>> -> memref<1x16x2x128xf32, #tpu.memory_space<vmem_shared>>
        %dma_wait3A_123 = tpu.memref_squeeze %dma_wait3A_122 : memref<1x16x2x128xf32, #tpu.memory_space<vmem_shared>> -> memref<16x2x128xf32, #tpu.memory_space<vmem_shared>>
        %dma_wait3A_124 = arith.constant 0 : i32
        %dma_wait3A_125 = arith.constant 0 : i32
        %dma_wait3A_126 = arith.constant 0 : i32
        %dma_wait3A_127 = tpu.memref_slice %dma_wait3A_123[%dma_wait3A_124, %dma_wait3A_125, %dma_wait3A_126] : memref<16x2x128xf32, #tpu.memory_space<vmem_shared>> -> memref<16x2x128xf32, #tpu.memory_space<vmem_shared>>
        tpu.wait_indirect_dma semaphore(%arg12 : memref<!tpu.dma_semaphore, #tpu.memory_space<semaphore_mem>>) src(%dma_wait3A_127 : memref<16x2x128xf32, #tpu.memory_space<vmem_shared>>) dst(%arg9 : memref<200x2x128xf32, #tpu.memory_space<vmem>>)
        %mul3A_128 = arith.constant 200 : i32
        %mul3A_129 = arith.muli %add3A_98, %mul3A_128 : i32
        %add3A_130 = arith.addi %add3A_66, %mul3A_129 : i32
        %dma_start3A_131 = arith.constant 0 : i32
        %dma_start3A_132 = arith.constant 0 : i32
        %dma_start3A_133 = tpu.memref_slice %arg4[%add3A_130, %dma_start3A_131, %dma_start3A_132] : memref<1638400x2x128xf32, #tpu.memory_space<hbm>> -> memref<200x2x128xf32, #tpu.memory_space<hbm>>
        %dma_start3A_134 = arith.constant 0 : i32
        %dma_start3A_135 = arith.constant 0 : i32
        %dma_start3A_136 = tpu.memref_slice %arg4[%add3A_130, %dma_start3A_134, %dma_start3A_135] : memref<1638400x2x128xf32, #tpu.memory_space<hbm>> -> memref<200x2x128xf32, #tpu.memory_space<hbm>>
        tpu.enqueue_dma source(%arg9 : memref<200x2x128xf32, #tpu.memory_space<vmem>>) target(%dma_start3A_136 : memref<200x2x128xf32, #tpu.memory_space<hbm>>) target_semaphore(%arg14 : memref<!tpu.dma_semaphore, #tpu.memory_space<semaphore_mem>>)
        %convert_element_type3A_137 = arith.extui %lt3A_70 : i1 to i32
        %cond3A_138 = arith.constant 0 : i32
        %cond3A_139 = arith.cmpi ne, %convert_element_type3A_137, %cond3A_138 : i32
        scf.if %cond3A_139 {
          %jit3A = arith.constant 2 : i32
          %div3A = arith.divsi %add3A_98, %jit3A : i32
          %sign3A = arith.constant 0 : i32
          %sign3A_178 = arith.cmpi sgt, %add3A_98, %sign3A : i32
          %sign3A_179 = arith.extui %sign3A_178 : i1 to i32
          %sign3A_180 = arith.constant 0 : i32
          %sign3A_181 = arith.cmpi slt, %add3A_98, %sign3A_180 : i32
          %sign3A_182 = arith.extui %sign3A_181 : i1 to i32
          %sign3A_183 = arith.subi %sign3A_179, %sign3A_182 : i32
          %sign3A_184 = arith.constant 0 : i32
          %sign3A_185 = arith.cmpi sgt, %jit3A, %sign3A_184 : i32
          %sign3A_186 = arith.extui %sign3A_185 : i1 to i32
          %sign3A_187 = arith.constant 0 : i32
          %sign3A_188 = arith.cmpi slt, %jit3A, %sign3A_187 : i32
          %sign3A_189 = arith.extui %sign3A_188 : i1 to i32
          %sign3A_190 = arith.subi %sign3A_186, %sign3A_189 : i32
          %ne3A = arith.cmpi ne, %sign3A_183, %sign3A_190 : i32
          %rem3A = arith.remsi %add3A_98, %jit3A : i32
          %ne3A_191 = arith.constant 0 : i32
          %ne3A_192 = arith.cmpi ne, %rem3A, %ne3A_191 : i32
          %and3A_193 = arith.andi %ne3A, %ne3A_192 : i1
          %sub3A = arith.constant 1 : i32
          %sub3A_194 = arith.subi %div3A, %sub3A : i32
          %select_n3A = arith.select %and3A_193, %sub3A_194, %div3A : i32
          %mul3A_195 = arith.constant 25 : i32
          %mul3A_196 = arith.muli %select_n3A, %mul3A_195 : i32
          %scan3A_197 = arith.constant 0 : i32
          %scan3A_198 = arith.constant 12 : i32
          %scan3A_199 = arith.addi %scan3A_197, %scan3A_198 : i32
          %scan3A_200 = arith.constant 1 : i32
          scf.for %scan3A_202 = %scan3A_197 to %scan3A_199 step %scan3A_200  : i32 {
            %mul3A_203 = arith.constant 1 : i32
            %mul3A_204 = arith.muli %scan3A_202, %mul3A_203 : i32
            %add3A_205 = arith.constant 0 : i32
            %add3A_206 = arith.addi %add3A_205, %mul3A_204 : i32
            %add3A_207 = arith.addi %mul3A_196, %add3A_206 : i32
            %mul3A_208 = arith.constant 2 : i32
            %mul3A_209 = arith.muli %add3A_207, %mul3A_208 : i32
            %mul3A_210 = arith.constant 16 : i32
            %mul3A_211 = arith.muli %mul3A_209, %mul3A_210 : i32
            %get3A = arith.index_cast %mul3A_211 : i32 to index
            %get3A_212 = tpu.vector_load %arg5[%get3A] {strides = array<i32>} : memref<6400xi32, #tpu.memory_space<vmem>>, vector<16xi32>,
            %get3A_213 = vector.shape_cast %get3A_212 : vector<16xi32> to vector<16xi32>
            %mul3A_214 = arith.constant 2 : i32
            %mul3A_215 = arith.muli %add3A_207, %mul3A_214 : i32
            %mul3A_216 = arith.constant 16 : i32
            %mul3A_217 = arith.muli %mul3A_215, %mul3A_216 : i32
            %add3A_218 = arith.constant 16 : i32
            %add3A_219 = arith.addi %mul3A_217, %add3A_218 : i32
            %get3A_220 = arith.index_cast %add3A_219 : i32 to index
            %get3A_221 = tpu.vector_load %arg5[%get3A_220] {strides = array<i32>} : memref<6400xi32, #tpu.memory_space<vmem>>, vector<16xi32>,
            %get3A_222 = vector.shape_cast %get3A_221 : vector<16xi32> to vector<16xi32>
            %mul3A_223 = arith.constant 4 : i32
            %mul3A_224 = vector.broadcast %mul3A_223 : i32 to vector<16xi32>
            %mul3A_225 = arith.muli %mul3A_224, %get3A_213 : vector<16xi32>
            %broadcast_in_dim3A = vector.shape_cast %xor3A_6 : vector<16xi32> to vector<16x1xi32>
            %gather3A = vector.shape_cast %broadcast_in_dim3A : vector<16x1xi32> to vector<16xi32>
            %gather3A_226 = tpu.dynamic_gather %get3A_213[%gather3A] in [0] : vector<16xi32>, vector<16xi32> -> vector<16xi32>
            %add3A_227 = arith.addi %mul3A_225, %gather3A_226 : vector<16xi32>
            %mul3A_228 = arith.constant 4 : i32
            %mul3A_229 = vector.broadcast %mul3A_228 : i32 to vector<16xi32>
            %mul3A_230 = arith.muli %mul3A_229, %get3A_222 : vector<16xi32>
            %broadcast_in_dim3A_231 = vector.shape_cast %xor3A_6 : vector<16xi32> to vector<16x1xi32>
            %gather3A_232 = vector.shape_cast %broadcast_in_dim3A_231 : vector<16x1xi32> to vector<16xi32>
            %gather3A_233 = tpu.dynamic_gather %get3A_222[%gather3A_232] in [0] : vector<16xi32>, vector<16xi32> -> vector<16xi32>
            %add3A_234 = arith.addi %mul3A_230, %gather3A_233 : vector<16xi32>
            %broadcast_in_dim3A_235 = vector.shape_cast %and3A_11 : vector<16xi32> to vector<16x1xi32>
            %gather3A_236 = vector.shape_cast %broadcast_in_dim3A_235 : vector<16x1xi32> to vector<16xi32>
            %gather3A_237 = tpu.dynamic_gather %add3A_227[%gather3A_236] in [0] : vector<16xi32>, vector<16xi32> -> vector<16xi32>
            %broadcast_in_dim3A_238 = vector.shape_cast %and3A_11 : vector<16xi32> to vector<16x1xi32>
            %gather3A_239 = vector.shape_cast %broadcast_in_dim3A_238 : vector<16x1xi32> to vector<16xi32>
            %gather3A_240 = tpu.dynamic_gather %add3A_234[%gather3A_239] in [0] : vector<16xi32>, vector<16xi32> -> vector<16xi32>
            %select_n3A_241 = arith.select %lt3A_13, %gather3A_237, %gather3A_240 : vector<16xi1>, vector<16xi32>
            %mul3A_242 = arith.constant 16 : i32
            %mul3A_243 = arith.muli %add3A_207, %mul3A_242 : i32
            %swap3A = arith.index_cast %mul3A_243 : i32 to index
            %swap3A_244 = tpu.vector_load %arg7[%swap3A] {strides = array<i32>} : memref<3200xi32, #tpu.memory_space<vmem>>, vector<16xi32>,
            %swap3A_245 = vector.shape_cast %swap3A_244 : vector<16xi32> to vector<16xi32>
            %swap3A_246 = vector.shape_cast %select_n3A_241 : vector<16xi32> to vector<16xi32>
            tpu.vector_store %arg7[%swap3A], %swap3A_246 {strides = array<i32>} : memref<3200xi32, #tpu.memory_space<vmem>>, vector<16xi32>,
          }
          %scan3A_201 = arith.constant 12 : i32
        } else {
        }
        %dma_wait3A_140 = arith.constant 0 : i32
        %dma_wait3A_141 = arith.constant 0 : i32
        %dma_wait3A_142 = tpu.memref_slice %arg4[%mul3A_4, %dma_wait3A_140, %dma_wait3A_141] : memref<1638400x2x128xf32, #tpu.memory_space<hbm>> -> memref<200x2x128xf32, #tpu.memory_space<hbm>>
        %dma_wait3A_143 = arith.constant 0 : i32
        %dma_wait3A_144 = arith.constant 0 : i32
        %dma_wait3A_145 = tpu.memref_slice %arg4[%mul3A_4, %dma_wait3A_143, %dma_wait3A_144] : memref<1638400x2x128xf32, #tpu.memory_space<hbm>> -> memref<200x2x128xf32, #tpu.memory_space<hbm>>
        tpu.wait_dma2 semaphore(%arg14 : memref<!tpu.dma_semaphore, #tpu.memory_space<semaphore_mem>>) src(%arg9 : memref<200x2x128xf32, #tpu.memory_space<vmem>>) dst(%dma_wait3A_145 : memref<200x2x128xf32, #tpu.memory_space<hbm>>)
        %add3A_146 = arith.constant 2 : i32
        %add3A_147 = arith.addi %add3A_98, %add3A_146 : i32
        %lt3A_148 = arith.constant 16 : i32
        %lt3A_149 = arith.cmpi slt, %add3A_147, %lt3A_148 : i32
        %convert_element_type3A_150 = arith.extui %lt3A_149 : i1 to i32
        %cond3A_151 = arith.constant 0 : i32
        %cond3A_152 = arith.cmpi ne, %convert_element_type3A_150, %cond3A_151 : i32
        scf.if %cond3A_152 {
          %add3A_178 = arith.constant 2 : i32
          %add3A_179 = arith.addi %add3A_98, %add3A_178 : i32
          %mul3A_180 = arith.constant 200 : i32
          %mul3A_181 = arith.muli %add3A_179, %mul3A_180 : i32
          %dma_start3A_182 = tpu.memref_slice %arg8[%mul3A_181] : memref<3200xi32, #tpu.memory_space<vmem>> -> memref<200xi32, #tpu.memory_space<vmem>>
          %dma_start3A_183 = arith.constant 0 : i32
          %dma_start3A_184 = arith.constant 0 : i32
          %dma_start3A_185 = arith.constant 0 : i32
          %dma_start3A_186 = tpu.memref_slice %arg11[%arg1, %dma_start3A_183, %dma_start3A_184, %dma_start3A_185] : memref<16x16x2x128xf32, #tpu.memory_space<vmem_shared>> -> memref<1x16x2x128xf32, #tpu.memory_space<vmem_shared>>
          %dma_start3A_187 = tpu.memref_squeeze %dma_start3A_186 : memref<1x16x2x128xf32, #tpu.memory_space<vmem_shared>> -> memref<16x2x128xf32, #tpu.memory_space<vmem_shared>>
          %dma_start3A_188 = arith.constant 0 : i32
          %dma_start3A_189 = arith.constant 0 : i32
          %dma_start3A_190 = arith.constant 0 : i32
          %dma_start3A_191 = tpu.memref_slice %dma_start3A_187[%dma_start3A_188, %dma_start3A_189, %dma_start3A_190] : memref<16x2x128xf32, #tpu.memory_space<vmem_shared>> -> memref<16x2x128xf32, #tpu.memory_space<vmem_shared>>
          tpu.enqueue_indirect_dma source(%dma_start3A_191 : memref<16x2x128xf32, #tpu.memory_space<vmem_shared>>) target(%arg9 : memref<200x2x128xf32, #tpu.memory_space<vmem>>) offsets(%dma_start3A_182 : memref<200xi32, #tpu.memory_space<vmem>>) semaphore(%arg12 : memref<!tpu.dma_semaphore, #tpu.memory_space<semaphore_mem>>)
        } else {
        }
        %dma_wait3A_153 = arith.constant 0 : i32
        %dma_wait3A_154 = tpu.memref_slice %arg7[%dma_wait3A_153] : memref<3200xi32, #tpu.memory_space<vmem>> -> memref<200xi32, #tpu.memory_space<vmem>>
        %dma_wait3A_155 = arith.constant 0 : i32
        %dma_wait3A_156 = arith.constant 0 : i32
        %dma_wait3A_157 = arith.constant 0 : i32
        %dma_wait3A_158 = tpu.memref_slice %arg11[%arg1, %dma_wait3A_155, %dma_wait3A_156, %dma_wait3A_157] : memref<16x16x2x128xf32, #tpu.memory_space<vmem_shared>> -> memref<1x16x2x128xf32, #tpu.memory_space<vmem_shared>>
        %dma_wait3A_159 = tpu.memref_squeeze %dma_wait3A_158 : memref<1x16x2x128xf32, #tpu.memory_space<vmem_shared>> -> memref<16x2x128xf32, #tpu.memory_space<vmem_shared>>
        %dma_wait3A_160 = arith.constant 0 : i32
        %dma_wait3A_161 = arith.constant 0 : i32
        %dma_wait3A_162 = arith.constant 0 : i32
        %dma_wait3A_163 = tpu.memref_slice %dma_wait3A_159[%dma_wait3A_160, %dma_wait3A_161, %dma_wait3A_162] : memref<16x2x128xf32, #tpu.memory_space<vmem_shared>> -> memref<16x2x128xf32, #tpu.memory_space<vmem_shared>>
        tpu.wait_indirect_dma semaphore(%arg13 : memref<!tpu.dma_semaphore, #tpu.memory_space<semaphore_mem>>) src(%dma_wait3A_163 : memref<16x2x128xf32, #tpu.memory_space<vmem_shared>>) dst(%arg10 : memref<200x2x128xf32, #tpu.memory_space<vmem>>)
        %add3A_164 = arith.constant 1 : i32
        %add3A_165 = arith.addi %add3A_98, %add3A_164 : i32
        %mul3A_166 = arith.constant 200 : i32
        %mul3A_167 = arith.muli %add3A_165, %mul3A_166 : i32
        %add3A_168 = arith.addi %add3A_66, %mul3A_167 : i32
        %dma_start3A_169 = arith.constant 0 : i32
        %dma_start3A_170 = arith.constant 0 : i32
        %dma_start3A_171 = tpu.memref_slice %arg4[%add3A_168, %dma_start3A_169, %dma_start3A_170] : memref<1638400x2x128xf32, #tpu.memory_space<hbm>> -> memref<200x2x128xf32, #tpu.memory_space<hbm>>
        %dma_start3A_172 = arith.constant 0 : i32
        %dma_start3A_173 = arith.constant 0 : i32
        %dma_start3A_174 = tpu.memref_slice %arg4[%add3A_168, %dma_start3A_172, %dma_start3A_173] : memref<1638400x2x128xf32, #tpu.memory_space<hbm>> -> memref<200x2x128xf32, #tpu.memory_space<hbm>>
        tpu.enqueue_dma source(%arg10 : memref<200x2x128xf32, #tpu.memory_space<vmem>>) target(%dma_start3A_174 : memref<200x2x128xf32, #tpu.memory_space<hbm>>) target_semaphore(%arg15 : memref<!tpu.dma_semaphore, #tpu.memory_space<semaphore_mem>>)
        %convert_element_type3A_175 = arith.extui %lt3A_70 : i1 to i32
        %cond3A_176 = arith.constant 0 : i32
        %cond3A_177 = arith.cmpi ne, %convert_element_type3A_175, %cond3A_176 : i32
        scf.if %cond3A_177 {
          %jit3A = arith.constant 2 : i32
          %div3A = arith.divsi %add3A_98, %jit3A : i32
          %sign3A = arith.constant 0 : i32
          %sign3A_178 = arith.cmpi sgt, %add3A_98, %sign3A : i32
          %sign3A_179 = arith.extui %sign3A_178 : i1 to i32
          %sign3A_180 = arith.constant 0 : i32
          %sign3A_181 = arith.cmpi slt, %add3A_98, %sign3A_180 : i32
          %sign3A_182 = arith.extui %sign3A_181 : i1 to i32
          %sign3A_183 = arith.subi %sign3A_179, %sign3A_182 : i32
          %sign3A_184 = arith.constant 0 : i32
          %sign3A_185 = arith.cmpi sgt, %jit3A, %sign3A_184 : i32
          %sign3A_186 = arith.extui %sign3A_185 : i1 to i32
          %sign3A_187 = arith.constant 0 : i32
          %sign3A_188 = arith.cmpi slt, %jit3A, %sign3A_187 : i32
          %sign3A_189 = arith.extui %sign3A_188 : i1 to i32
          %sign3A_190 = arith.subi %sign3A_186, %sign3A_189 : i32
          %ne3A = arith.cmpi ne, %sign3A_183, %sign3A_190 : i32
          %rem3A = arith.remsi %add3A_98, %jit3A : i32
          %ne3A_191 = arith.constant 0 : i32
          %ne3A_192 = arith.cmpi ne, %rem3A, %ne3A_191 : i32
          %and3A_193 = arith.andi %ne3A, %ne3A_192 : i1
          %sub3A = arith.constant 1 : i32
          %sub3A_194 = arith.subi %div3A, %sub3A : i32
          %select_n3A = arith.select %and3A_193, %sub3A_194, %div3A : i32
          %mul3A_195 = arith.constant 25 : i32
          %mul3A_196 = arith.muli %select_n3A, %mul3A_195 : i32
          %add3A_197 = arith.constant 12 : i32
          %add3A_198 = arith.addi %mul3A_196, %add3A_197 : i32
          %scan3A_199 = arith.constant 0 : i32
          %scan3A_200 = arith.constant 13 : i32
          %scan3A_201 = arith.addi %scan3A_199, %scan3A_200 : i32
          %scan3A_202 = arith.constant 1 : i32
          scf.for %scan3A_204 = %scan3A_199 to %scan3A_201 step %scan3A_202  : i32 {
            %mul3A_205 = arith.constant 1 : i32
            %mul3A_206 = arith.muli %scan3A_204, %mul3A_205 : i32
            %add3A_207 = arith.constant 0 : i32
            %add3A_208 = arith.addi %add3A_207, %mul3A_206 : i32
            %add3A_209 = arith.addi %add3A_198, %add3A_208 : i32
            %mul3A_210 = arith.constant 2 : i32
            %mul3A_211 = arith.muli %add3A_209, %mul3A_210 : i32
            %mul3A_212 = arith.constant 16 : i32
            %mul3A_213 = arith.muli %mul3A_211, %mul3A_212 : i32
            %get3A = arith.index_cast %mul3A_213 : i32 to index
            %get3A_214 = tpu.vector_load %arg5[%get3A] {strides = array<i32>} : memref<6400xi32, #tpu.memory_space<vmem>>, vector<16xi32>,
            %get3A_215 = vector.shape_cast %get3A_214 : vector<16xi32> to vector<16xi32>
            %mul3A_216 = arith.constant 2 : i32
            %mul3A_217 = arith.muli %add3A_209, %mul3A_216 : i32
            %mul3A_218 = arith.constant 16 : i32
            %mul3A_219 = arith.muli %mul3A_217, %mul3A_218 : i32
            %add3A_220 = arith.constant 16 : i32
            %add3A_221 = arith.addi %mul3A_219, %add3A_220 : i32
            %get3A_222 = arith.index_cast %add3A_221 : i32 to index
            %get3A_223 = tpu.vector_load %arg5[%get3A_222] {strides = array<i32>} : memref<6400xi32, #tpu.memory_space<vmem>>, vector<16xi32>,
            %get3A_224 = vector.shape_cast %get3A_223 : vector<16xi32> to vector<16xi32>
            %mul3A_225 = arith.constant 4 : i32
            %mul3A_226 = vector.broadcast %mul3A_225 : i32 to vector<16xi32>
            %mul3A_227 = arith.muli %mul3A_226, %get3A_215 : vector<16xi32>
            %broadcast_in_dim3A = vector.shape_cast %xor3A_6 : vector<16xi32> to vector<16x1xi32>
            %gather3A = vector.shape_cast %broadcast_in_dim3A : vector<16x1xi32> to vector<16xi32>
            %gather3A_228 = tpu.dynamic_gather %get3A_215[%gather3A] in [0] : vector<16xi32>, vector<16xi32> -> vector<16xi32>
            %add3A_229 = arith.addi %mul3A_227, %gather3A_228 : vector<16xi32>
            %mul3A_230 = arith.constant 4 : i32
            %mul3A_231 = vector.broadcast %mul3A_230 : i32 to vector<16xi32>
            %mul3A_232 = arith.muli %mul3A_231, %get3A_224 : vector<16xi32>
            %broadcast_in_dim3A_233 = vector.shape_cast %xor3A_6 : vector<16xi32> to vector<16x1xi32>
            %gather3A_234 = vector.shape_cast %broadcast_in_dim3A_233 : vector<16x1xi32> to vector<16xi32>
            %gather3A_235 = tpu.dynamic_gather %get3A_224[%gather3A_234] in [0] : vector<16xi32>, vector<16xi32> -> vector<16xi32>
            %add3A_236 = arith.addi %mul3A_232, %gather3A_235 : vector<16xi32>
            %broadcast_in_dim3A_237 = vector.shape_cast %and3A_11 : vector<16xi32> to vector<16x1xi32>
            %gather3A_238 = vector.shape_cast %broadcast_in_dim3A_237 : vector<16x1xi32> to vector<16xi32>
            %gather3A_239 = tpu.dynamic_gather %add3A_229[%gather3A_238] in [0] : vector<16xi32>, vector<16xi32> -> vector<16xi32>
            %broadcast_in_dim3A_240 = vector.shape_cast %and3A_11 : vector<16xi32> to vector<16x1xi32>
            %gather3A_241 = vector.shape_cast %broadcast_in_dim3A_240 : vector<16x1xi32> to vector<16xi32>
            %gather3A_242 = tpu.dynamic_gather %add3A_236[%gather3A_241] in [0] : vector<16xi32>, vector<16xi32> -> vector<16xi32>
            %select_n3A_243 = arith.select %lt3A_13, %gather3A_239, %gather3A_242 : vector<16xi1>, vector<16xi32>
            %mul3A_244 = arith.constant 16 : i32
            %mul3A_245 = arith.muli %add3A_209, %mul3A_244 : i32
            %swap3A = arith.index_cast %mul3A_245 : i32 to index
            %swap3A_246 = tpu.vector_load %arg7[%swap3A] {strides = array<i32>} : memref<3200xi32, #tpu.memory_space<vmem>>, vector<16xi32>,
            %swap3A_247 = vector.shape_cast %swap3A_246 : vector<16xi32> to vector<16xi32>
            %swap3A_248 = vector.shape_cast %select_n3A_243 : vector<16xi32> to vector<16xi32>
            tpu.vector_store %arg7[%swap3A], %swap3A_248 {strides = array<i32>} : memref<3200xi32, #tpu.memory_space<vmem>>, vector<16xi32>,
          }
          %scan3A_203 = arith.constant 13 : i32
        } else {
        }
      }
      %scan3A_87 = arith.constant 8 : i32
      %dma_wait3A_88 = arith.constant 0 : i32
      %dma_wait3A_89 = arith.constant 0 : i32
      %dma_wait3A_90 = tpu.memref_slice %arg4[%mul3A_4, %dma_wait3A_88, %dma_wait3A_89] : memref<1638400x2x128xf32, #tpu.memory_space<hbm>> -> memref<200x2x128xf32, #tpu.memory_space<hbm>>
      %dma_wait3A_91 = arith.constant 0 : i32
      %dma_wait3A_92 = arith.constant 0 : i32
      %dma_wait3A_93 = tpu.memref_slice %arg4[%mul3A_4, %dma_wait3A_91, %dma_wait3A_92] : memref<1638400x2x128xf32, #tpu.memory_space<hbm>> -> memref<200x2x128xf32, #tpu.memory_space<hbm>>
      tpu.wait_dma2 semaphore(%arg15 : memref<!tpu.dma_semaphore, #tpu.memory_space<semaphore_mem>>) src(%arg10 : memref<200x2x128xf32, #tpu.memory_space<vmem>>) dst(%dma_wait3A_93 : memref<200x2x128xf32, #tpu.memory_space<hbm>>)
    }
    %scan3A_22 = arith.constant 8 : i32
    return
  }
}

</mosaic_0001>

<sc_bundles>
// kernel: _sc_lookup.3.cloned.1.call-start
scs
__scs_entry_jumppad:
0x0: {  	(pc) =	sbr.rel $0x88, $3  }
0x1: {  	(tag) =	ssettag $0x0;
	lr =	simm.s32 $0x1  }
0x2: {  	[smem:$0x3F9F] =	sst lr;
	_ =	strace $0xD0000000  }
0x3: {  	_ = 	snop  }
0x4: {  	_ = 	snop  }
0x5: {  	_ = 	snop  }
0x6: {  	_ = 	snop  }
0x7: {  	_ = 	snop  }
__scs_overlays_trampoline_lowered:
0x8: {  	[smem:$0x3FAE] =	sst s0  }
0x9: {  	[smem:$0x3FAF] =	sst s1  }
0xa: {  	[smem:$0x3FB0] =	sst s2  }
0xb: {  	[smem:$0x3FB1] =	sst s3  }
0xc: {  	[smem:$0x3FB2] =	sst s4  }
0xd: {  	[smem:$0x3FB3] =	sst s5  }
0xe: {  	[smem:$0x3FB4] =	sst s6  }
0xf: {  	[smem:$0x3FB5] =	sst s7  }
0x10: {  	[smem:$0x3FB6] =	sst s8  }
0x11: {  	[smem:$0x3FB7] =	sst s9;
	s0 =	simm.s32 @!p0 $0x0  }
0x12: {  	s1 =	sld [smem:$0x3F9D];
	s0 =	simm.s32 @p0 $0x1  }
0x13: {  	[smem:$0x3FB8] =	sst s0;
	s0 =	simm.s32 @!p1 $0x0  }
0x14: {  	s2 =	sld [smem:$0x3F9C];
	s0 =	simm.s32 @p1 $0x1  }
0x15: {  	[smem:$0x3FB9] =	sst s0;
	s0 =	simm.s32 @!p2 $0x0  }
0x16: {  	s3 =	sld [smem:$0x3FDB];
	s0 =	simm.s32 @p2 $0x1  }
0x17: {  	s4 =	simm.s32 $0x1BF5;
	[smem:$0x3FBB] =	sst s0  }
0x18: {  	s0 =	sld [smem:$0x3F9E];
	_ =	swait.ge [sflag:s4], $0x0  }
0x19: {  	s7 =	sld [smem:$0x3F9F]  }
0x1a: {  	s8 =	sadd.s32 $0xFFFFE003, lr  }
0x1b: {  	s9 =	sadd.s32 $0xFFFFFEF7, lr;
	s5 =	simm.s32 $0xFFFFFFFF;
	p2 =	slt.u32 s8, $0xFFFFF086  }
0x1c: {  	p1 =	slt.u32 s9, $0xF7A;
	s5 =	simm.s32 @!p2 $0x0  }
0x1d: {  	s5 =	simm.s32 @p1 $0x1;
	p0 =	seq.s32 s7, s2  }
0x1e: {  	s7 =	smul.u32 @!p0 $0xF7A, s2;
	p2 =	seq.s32 @!p0 s5, $0x0  }
0x1f: {  	s9 =	smul.u32 $0xF7A, s1;
	s8 =	simm.s32 @!p0 $0x1BF5;
	p2 =	por !p2, p0  }
0x20: {  	[sflag:s8] =	ssyncset.s32 @!p0 $0xFFFFF086;
	s6 =	sadd.s32 @!p0 s3, s7;
	s7 =	simm.s32 @!p0 $0x108  }
0x21: {  	s3 =	sadd.s32 s3, s9;
	s6 =	sadd.s32 @!p0 $0x88, s6;
	s7 =	simm.s32 @p2 $0x1082  }
0x22: {  	[simem:s7], [sflag:s8] =	dma.local @!p0 [hbm:s6], $0xF7A  }
0x23: {  	s9 =	sor.u32 $0xD0000000, s2;
	s6 =	simm.s32 $0x108;
	_ =	swait.ge @!p0 [sflag:s8], $0x0  }
0x24: {  	s3 =	sadd.s32 $0x88, s3;
	s6 =	simm.s32 @!p1 $0x1082;
	[sflag:s4] =	ssyncset.s32 $0xFFFFF086  }
0x25: {  	[simem:s6], [sflag:s4] =	dma.local [hbm:s3], $0xF7A  }
0x26: {  	[smem:$0x3F9F] =	sst s1;
	(tag) =	ssettag s2;
	_ =	strace s9  }
0x27: {  	s1 =	sld [smem:$0x3FAF]  }
0x28: {  	s2 =	sld [smem:$0x3FB0]  }
0x29: {  	s4 =	sld [smem:$0x3FB2]  }
0x2a: {  	p0 =	seq.s32 s5, $0x0;
	s5 =	sld [smem:$0x3FB3]  }
0x2b: {  	s6 =	sld [smem:$0x3FB4]  }
0x2c: {  	s7 =	sld [smem:$0x3FB5]  }
0x2d: {  	s3 =	simm.s32 $0x108;
	s8 =	sld [smem:$0x3FB6]  }
0x2e: {  	s3 =	simm.s32 @!p0 $0x1082;
	s9 =	sld [smem:$0x3FB7]  }
0x2f: {  	lr =	sadd.s32 s0, s3;
	s0 =	sld [smem:$0x3FAE]  }
0x30: {  	s3 =	sld [smem:$0x3FB1]  }
0x31: {  	[smem:$0x3FBA] =	sst s10  }
0x32: {  	s10 =	sld [smem:$0x3FB8];
	_ =	sdelay $0x3  }
0x33: {  	p0 =	seq.s32 s10, $0x1;
	s10 =	sld [smem:$0x3FBA];
	_ =	sdelay $0x3  }
0x34: {  	[smem:$0x3FBA] =	sst s10  }
0x35: {  	s10 =	sld [smem:$0x3FB9];
	_ =	sdelay $0x3  }
0x36: {  	p1 =	seq.s32 s10, $0x1;
	s10 =	sld [smem:$0x3FBA];
	_ =	sdelay $0x3  }
0x37: {  	[smem:$0x3FBA] =	sst s10  }
0x38: {  	s10 =	sld [smem:$0x3FBB]  }
0x39: {  	_ = 	snop;
	(pc) =	sbr.ind lr, $3  }
0x3a: {  	_ = 	snop  }
0x3b: {  	_ = 	snop  }
0x3c: {  	p2 =	seq.s32 s10, $0x1;
	s10 =	sld [smem:$0x3FBA]  }
0x3d: {  	_ =	shalt  }
0x3e: {  	_ =	shalt  }
0x3f: {  	_ =	shalt  }
0x40: {  	_ =	shalt  }
0x41: {  	_ =	shalt  }
0x42: {  	_ =	shalt  }
0x43: {  	_ =	shalt  }
0x44: {  	_ =	shalt  }
0x45: {  	_ =	shalt  }
0x46: {  	_ =	shalt  }
0x47: {  	_ =	shalt  }
0x48: {  	_ =	shalt  }
0x49: {  	_ =	shalt  }
0x4a: {  	_ =	shalt  }
0x4b: {  	_ =	shalt  }
0x4c: {  	_ =	shalt  }
0x4d: {  	_ =	shalt  }
0x4e: {  	_ =	shalt  }
0x4f: {  	_ =	shalt  }
0x50: {  	_ =	shalt  }
0x51: {  	_ =	shalt  }
0x52: {  	_ =	shalt  }
0x53: {  	_ =	shalt  }
0x54: {  	_ =	shalt  }
0x55: {  	_ =	shalt  }
0x56: {  	_ =	shalt  }
0x57: {  	_ =	shalt  }
0x58: {  	_ =	shalt  }
0x59: {  	_ =	shalt  }
0x5a: {  	_ =	shalt  }
0x5b: {  	_ =	shalt  }
0x5c: {  	_ =	shalt  }
0x5d: {  	_ =	shalt  }
0x5e: {  	_ =	shalt  }
0x5f: {  	_ =	shalt  }
0x60: {  	_ =	shalt  }
0x61: {  	_ =	shalt  }
0x62: {  	_ =	shalt  }
0x63: {  	_ =	shalt  }
0x64: {  	_ =	shalt  }
0x65: {  	_ =	shalt  }
0x66: {  	_ =	shalt  }
0x67: {  	_ =	shalt  }
0x68: {  	_ =	shalt  }
0x69: {  	_ =	shalt  }
0x6a: {  	_ =	shalt  }
0x6b: {  	_ =	shalt  }
0x6c: {  	_ =	shalt  }
0x6d: {  	_ =	shalt  }
0x6e: {  	_ =	shalt  }
0x6f: {  	_ =	shalt  }
0x70: {  	_ =	shalt  }
0x71: {  	_ =	shalt  }
0x72: {  	_ =	shalt  }
0x73: {  	_ =	shalt  }
0x74: {  	_ =	shalt  }
0x75: {  	_ =	shalt  }
0x76: {  	_ =	shalt  }
0x77: {  	_ =	shalt  }
0x78: {  	_ =	shalt  }
0x79: {  	_ =	shalt  }
0x7a: {  	_ =	shalt  }
0x7b: {  	_ =	shalt  }
0x7c: {  	_ =	shalt  }
0x7d: {  	_ =	shalt  }
0x7e: {  	_ =	shalt  }
0x7f: {  	_ =	shalt  }
0x80: {  	_ =	shalt  }
0x81: {  	_ =	shalt  }
0x82: {  	_ =	shalt  }
0x83: {  	_ =	shalt  }
0x84: {  	_ =	shalt  }
0x85: {  	_ =	shalt  }
0x86: {  	_ =	shalt  }
0x87: {  	_ =	shalt  }
.Lfunc_end0:
.L_simem_size_0:
called_computation_lowered:
.L_overlay_start_0:
0x88: {  	s2 =	sld [smem:$0x3FD9]  }
0x89: {  	s3 =	sld [smem:$0x3FFE];
	_ =	sdelay $0x1  }
0x8a: {  	s1 =	srdreg.scid  }
0x8b: {  	s0 =	sand.u32 $0x1, s1  }
0x8c: {  	s18 =	sshll.u32 s0, $0xA;
	s2 =	sadd.s32 s3, s2  }
0x8d: {  	s2 =	sadd.s32 s2, s18  }
0x8e: {  	[smem:$0x3FC6] =	sst s2  }
0x8f: {  	_ = 	snop  }
0x90: {  	s2 =	sld [smem:$0x3FC9]  }
0x91: {  	s19 =	sld [smem:$0x3FC8]  }
0x92: {  	s4 =	sld [smem:$0x3FD0];
	(tm) =	ssettm $0x1  }
0x93: {  	s5 =	sld [smem:$0x3FFB];
	_ =	sdelay $0x3  }
0x94: {  	_ =	strace s5  }
0x95: {  	s5 =	sld [smem:$0x3FFC];
	_ =	sdelay $0x3  }
0x96: {  	_ =	strace s5  }
0x97: {  	s5 =	sld [smem:$0x3FFD];
	_ =	sdelay $0x3  }
0x98: {  	_ =	strace s5  }
0x99: {  	_ =	strace $0x8FFFFFFF  }
0x9a: {  	s20 =	sld [smem:$0x3FDB];
	_ =	sdelay $0x1  }
0x9b: {  	s6 =	simm.s32 $_scs_section_size  }
0x9c: {  	s7 =	simm.s32 $_size__tile_overlayer_lowered;
	s8 =	simm.s32 $_tile_overlayer_lowered  }
0x9d: {  	s23 =	simm.s32 $0x1BFF;
	s22 =	sshll.u32 s8, $0x1;
	s5 =	sadd.s32 s6, s20  }
0x9e: {  	s9 =	simm.s32 $0x0;
	s21 =	sshll.u32 s7, $0x1;
	s7 =	sadd.s32 s22, s5  }
0x9f: {  	[timem:s9], [sflag:s23] =	dma.local [hbm:s7], s21  }
0xa0: {  	_ =	swait.ge [sflag:s23], s21  }
0xa1: {  	s6 =	ssub.s32 $0x0, s21;
	[sflag:s23] =	ssyncset.done $0x0  }
0xa2: {  	[sflag:s23] =	ssyncadd.s32 s6;
	_ =	sdelay $0x1  }
0xa3: {  	s24 =	simm.s32 $0x1B8B  }
0xa4: {  	_ =	swait.ge [sflag:s24], $0x1  }
0xa5: {  	[sflag:s24] =	ssyncset.done $0x0  }
0xa6: {  	s25 =	simm.s32 $0x1B8E;
	[sflag:s24] =	ssyncadd.s32 $0xFFFFFFFF  }
0xa7: {  	s26 =	simm.s32 $execute0_lowered;
	[smem:$0x3FD2] =	sst s25  }
0xa8: {  	s6 =	sshll.u32 s26, $0x1;
	_ =	strace $0x80000046;
	[dreg:$0x1] =	wrdreg $0xFFFFFFFF  }
0xa9: {  	s28 =	simm.s32 $_size_execute0_lowered;
	s5 =	sadd.s32 s5, s6;
	[dreg:$0x0] =	wrdreg $0x0  }
0xaa: {  	s6 =	sshll.u32 s28, $0x1;
	[dreg:$0x2] =	wrdreg s5  }
0xab: {  	[dreg:$0x3] =	wrdreg s6  }
0xac: {  	[dreg:$0x4] =	wrdreg $0xC0  }
0xad: {  	_ =	task [dreg:s9], $0x5FFFF  }
0xae: {  	[dreg:$0x1] =	wrdreg $0xFFFFFFFF  }
0xaf: {  	[dreg:$0x0] =	wrdreg $0x60  }
0xb0: {  	[dreg:$0x2] =	wrdreg s2  }
0xb1: {  	[dreg:$0x3] =	wrdreg s19  }
0xb2: {  	[dreg:$0x4] =	wrdreg s4  }
0xb3: {  	[dreg:$0x5] =	wrdreg $0x1DB000  }
0xb4: {  	[dreg:$0x6] =	wrdreg $0x9  }
0xb5: {  	_ =	task.clear_ibuf [dreg:s9], $0x7FFFF;
	_ =	strace $0x90000046  }
0xb6: {  	s29 =	simm.s32 $0x9;
	_ =	strace $0x80000048  }
0xb7: {  	_ =	swait.ge [sflag:s29], $0x1  }
0xb8: {  	[sflag:s29] =	ssyncadd.s32 $0xFFFFFFFF  }
0xb9: {  	_ =	strace $0x90000048  }
0xba: {  	_ =	sfence  }
0xbb: {  	s30 =	sld [smem:$0x0];
	_ =	sdelay $0x2  }
0xbc: {  	s31 =	sshll.u32 s1, $0xD;
	s1 =	sshrl.u32 s1, $0x2  }
0xbd: {  	s3 =	sand.u32 $0x4000, s31;
	s1 =	sadd.s32 s1, s30  }
0xbe: {  	s0 =	sor.u32 s3, s0;
	s1 =	sshll.u32 s1, $0x11  }
0xbf: {  	s0 =	sor.u32 s1, s0  }
0xc0: {  	s0 =	sadd.s32 $0x8F2B, s0  }
0xc1: {  	[sflag:s0] =	ssyncadd.remote.s32 $0x1  }
0xc2: {  	_ =	sfence.sel $0xFFFF  }
0xc3: {  	[dreg:$0x0] =	wrdreg $0xFFFFFFFF;
	(pc) =	sbr.abs _section_cstart, $3  }
0xc4: {  	[dreg:$0x1] =	wrdreg $0xFFFFFFFF  }
0xc5: {  	_ =	task.clear_ibuf [dreg:s9], $0x2FFFF;
	_ =	strace $0x9FFFFFFF  }
0xc6: {  	(tm) =	ssettm $0x7FFFFFFF  }
0xc7: {  	_ =	shalt  }
tec
execute0_lowered:
.L_overlay_start_1:
0x0: {  	(tag) =	ssettag $0x1  }
0x1: {  	s1 =	rddreg [dreg:$0x0]  }
0x2: {  	s4 =	rddreg [dreg:$0x2]  }
0x3: {  	s0 =	rddreg [dreg:$0x3];
	s2 =	srdreg.scid  }
0x4: {  	s8 =	stileid.u32;
	s5 =	simm.s32 $0x0;
	s14 =	simm.s32 $0x5  }
0x5: {  	s15 =	simm.s32 $0xC8;
	s16 =	simm.s32 $0x3200;
	s17 =	simm.s32 $0x4B00  }
0x6: {  	s18 =	simm.s32 $0x1900;
	s19 =	simm.s32 $0x11300;
	s20 =	simm.s32 $0x1  }
0x7: {  	s21 =	simm.s32 $0x3;
	s22 =	simm.s32 $0x2;
	s2 =	sand.u32 $0x1, s2  }
0x8: {  	s3 =	sshll.u32 s8, $0x1;
	[smem:$0x7FF] =	sst s5;
	s25 =	sshll.u32 s8, $0xC  }
0x9: {  	v0 =	vimm.s32 $0xEFCDAB89;
	v1 =	vimm.s32 $0x67452301;
	s26 =	sshll.u32 s8, $0x6;
	s23 =	ssub.s32 $0x2, s2;
	s2 =	sor.u32 s2, s3  }
0xa: {  	v0 =	vunpack.c.l.s4.s8 v0;
	v1 =	vunpack.c.l.s4.s8 v1;
	_ =	strace $0x80000047;
	s8 =	sadd.s32 s25, s0;
	s6 =	smul.u32 $0x19000, s2  }
0xb: {  	s28 =	sor.u32 $0x1C05, s26;
	s26 =	simm.s32 $0x0;
	s7 =	smul.u32 $0xC800, s2  }
.Ltmp0:
0xc: {  	s24 =	sshrl.u32 s23, $0x1;
	[dreg:$0x5] =	wrdreg s28;
	v0 =	vunpack.c.0.s8.s32 v0;
	v1 =	vunpack.c.0.s8.s32 v1;
	(pc) =	sbr.rel .LBB2_1-.Ltmp0, $4  }
0xd: {  	s31 =	sshrl.u32 s8, $0x3;
	s2 =	simm.s32 $0x0;
	s3 =	ssub.s32 s23, s24  }
0xe: {  	[dreg:$0x8] =	wrdreg s31;
	s9 =	sshrl.u32 s6, $0x3;
	s30 =	smax.u32 s3, $0x1;
	v0 =	vcombine.low v1, v0;
	v1 =	vlaneseq.u32  }
0xf: {  	s23 =	simm.s32 $0x4;
	s29 =	sadd.s32 s1, s9;
	[dreg:$0x7] =	wrdreg s30;
	v1 =	vand.u32 $0x7, v1  }
0x10: {  	vm0 =	vmmov $0xff;
	s24 =	simm.s32 $0x3E80;
	s11 =	sadd.s32 $0x3200, s6;
	[dreg:$0x6] =	wrdreg s29;
	v0 =	vand.u32 $0xF, v0;
	v1 =	vmul.u32 $0x2, v1  }
.LBB2_21:
0x11: {  	s2 =	rddreg [dreg:$0x9]  }
0x12: {  	s0 =	rddreg [dreg:$0x7];
	s2 =	sadd.s32 $0x1, s2  }
0x13: {  	p0 =	sne.s32 s2, s0  }
.Ltmp1:
0x14: {  	_ = 	snop;
	(pc) =	sbr.rel @!p0 .LBB2_22-.Ltmp1, $1  }
0x15: {  	_ =	sdelay $0x3  }
.LBB2_1:
0x16: {  	[dreg:$0x9] =	wrdreg s2  }
0x17: {  	s0 =	rddreg [dreg:$0x1]  }
0x18: {  	s29 =	rddreg [dreg:$0x5]  }
0x19: {  	s3 =	rddreg [dreg:$0x8]  }
0x1a: {  	[spmem:s3], [sflag:s29] =	dma.local [hbm:s0], $0x200  }
0x1b: {  	_ =	swait.ge [sflag:s14], $0x200  }
0x1c: {  	[sflag:s14] =	ssyncset.done $0x0  }
0x1d: {  	s30 =	simm.s32 $0x0;
	s31 =	rddreg [dreg:$0x6];
	[sflag:s14] =	ssyncadd.s32 $0xFFFFFE00  }
0x1e: {  	[tilespmem:s30], [sflag:$0x5] =	stream.linear.gather [hbm4b:s31+s30], $0x1900, $0x38;
	[tilespmem:$0x1EB00] =	vst v63  }
0x1f: {  	_ =	swait.ge [sflag:s14], $0x1900  }
0x20: {  	[sflag:s14] =	ssyncset.done $0x0  }
0x21: {  	s2 =	simm.s32 $0x10;
	[sflag:s14] =	ssyncadd.s32 $0xFFFFE700  }
0x22: {  	v2 =	vld [tilespmem:s2+$0xFFFFFFF0]  }
0x23: {  	s3 =	simm.s32 $0x40;
	s0 =	simm.s32 $0x0;
	v3 =	vld [tilespmem:s2+$0x0]  }
.LBB2_2:
0x24: {  	p0 =	sne.s32 s3, $0x31C0;
	_ =	sdelay $0x3  }
0x25: {  	v4 =	vperm.xlane v2, v0;
	v5 =	vperm.xlane v3, v0  }
0x26: {  	v2 =	vshll.u32 v2, $0x2;
	v3 =	vshll.u32 v3, $0x2  }
0x27: {  	v2 =	vadd.s32 v2, v4;
	v3 =	vadd.s32 v3, v5  }
0x28: {  	v2 =	vperm.xlane v2, v1;
	v3 =	vperm.xlane v3, v1  }
.Ltmp2:
0x29: {  	(pc) =	sbr.rel @p0 .LBB2_2-.Ltmp2, $4  }
0x2a: {  	s5 =	sshra.s32 s0, $0x2;
	s0 =	smov.u32 s3;
	v2 =	vsel vm0, v2, v3  }
0x2b: {  	s2 =	sadd.s32 $0x20, s2;
	[tilespmem:s5+$0x3200] =	vst v2  }
0x2c: {  	v2 =	vld [tilespmem:s2+$0xFFFFFFF0]  }
0x2d: {  	s3 =	sadd.s32 $0x40, s3;
	v3 =	vld [tilespmem:s2+$0x0]  }
0x2e: {  	_ =	sdelay $0x3  }
0x2f: {  	v4 =	vperm.xlane v2, v0;
	v5 =	vperm.xlane v3, v0  }
0x30: {  	v2 =	vshll.u32 v2, $0x2;
	v3 =	vshll.u32 v3, $0x2  }
.Ltmp3:
0x31: {  	v2 =	vadd.s32 v2, v4;
	v3 =	vadd.s32 v3, v5;
	(pc) =	sbr.rel .LBB2_4-.Ltmp3, $3  }
0x32: {  	v2 =	vperm.xlane v2, v1;
	v3 =	vperm.xlane v3, v1;
	_ =	sdelay $0x1  }
0x33: {  	s0 =	sshra.s32 s0, $0x2;
	v2 =	vsel vm0, v2, v3  }
0x34: {  	s28 =	simm.s32 $0x0;
	[tilespmem:s0+$0x3200] =	vst v2  }
.LBB2_20:
0x35: {  	s28 =	sadd.s32 $0x1, s28  }
0x36: {  	p0 =	sne.s32 s28, $0x8  }
.Ltmp4:
0x37: {  	_ = 	snop;
	(pc) =	sbr.rel @!p0 .LBB2_21-.Ltmp4, $4  }
0x38: {  	_ = 	snop  }
0x39: {  	_ =	swait.ge [sflag:s23], $0xC800  }
0x3a: {  	[sflag:s23] =	ssyncset.done $0x0  }
0x3b: {  	[sflag:s23] =	ssyncadd.s32 $0xFFFF3800  }
.LBB2_4:
0x3c: {  	s29 =	sshllo.u32 s28, $0x1  }
0x3d: {  	s0 =	smul.u32 $0x1900, s29  }
0x3e: {  	[tilespmem:s17], [sflag:$0x1] =	stream.indirect.gather [spmem:s8], $0x100, s16, s15, $0xb8;
	[tilespmem:$0x1EB00] =	vst v63  }
0x3f: {  	s0 =	sadd.s32 s6, s0  }
0x40: {  	s0 =	sshrl.u32 s0, $0x3  }
0x41: {  	s2 =	smul.u32 $0x1900, s28;
	s0 =	sadd.s32 s1, s0  }
0x42: {  	[tilespmem:s18], [sflag:$0x5] =	stream.linear.gather [hbm4b:s0+s26], $0x1900, $0x38;
	[tilespmem:$0x1EB00] =	vst v63  }
0x43: {  	s3 =	simm.s32 $0x3E80;
	s5 =	simm.s32 $0x1A90;
	_ =	swait.ge [sflag:s14], $0x1900  }
0x44: {  	s30 =	simm.s32 $0x3F40;
	s31 =	simm.s32 $0x0;
	[sflag:s14] =	ssyncset.done $0x0  }
0x45: {  	s0 =	sadd.s32 s7, s2;
	s2 =	simm.s32 $0x1910;
	[sflag:s14] =	ssyncadd.s32 $0xFFFFE700  }
.LBB2_5:
0x46: {  	p0 =	seq.s32 s31, $0x0  }
0x47: {  	s9 =	simm.s32 @!p0 $0x4  }
0x48: {  	s12 =	smul.u32 $0x190, s31;
	_ =	swait.ge @!p0 [sflag:s9], $0xC800  }
0x49: {  	[sflag:s9] =	ssyncset.done @!p0 $0x0  }
0x4a: {  	s13 =	sadd.s32 $0x32C8, s12;
	[sflag:s9] =	ssyncadd.s32 @!p0 $0xFFFF3800  }
0x4b: {  	[tilespmem:s19], [sflag:$0x2] =	stream.indirect.gather [spmem:s8], $0x100, s13, s15, $0xb8;
	[tilespmem:$0x1EB00] =	vst v63  }
0x4c: {  	s25 =	sadd.s32 s0, s12;
	_ =	swait.ge [sflag:s20], $0xC800  }
0x4d: {  	s9 =	sshll.u32 s25, $0x5;
	[sflag:s20] =	ssyncset.done $0x0  }
0x4e: {  	s10 =	simm.s32 $0x0;
	s9 =	sadd.s32 s4, s9;
	[sflag:s20] =	ssyncadd.s32 $0xFFFF3800  }
0x4f: {  	[hbm4b:s9+s10] =	stream.linear.scatter [tilespmem:s17], [sflag:$0x3], $0xC800, $0x38;
	[tilespmem:$0x1EB00] =	vst v63  }
0x50: {  	v3 =	vld [tilespmem:s2+$0xFFFFFFF0]  }
0x51: {  	v2 =	vmov s3;
	s13 =	smov.u32 s2;
	s9 =	sadd.s32 $0xC8, s12;
	s12 =	simm.s32 $0x40;
	v4 =	vld [tilespmem:s2+$0x0]  }
.LBB2_6:
0x52: {  	p0 =	sne.s32 s12, $0x2C0;
	_ =	sdelay $0x3  }
0x53: {  	v5 =	vperm.xlane v3, v0;
	v6 =	vperm.xlane v4, v0  }
0x54: {  	v3 =	vshll.u32 v3, $0x2;
	v4 =	vshll.u32 v4, $0x2  }
0x55: {  	v3 =	vadd.s32 v3, v5;
	v4 =	vadd.s32 v4, v6  }
0x56: {  	v3 =	vperm.xlane v3, v1;
	v4 =	vperm.xlane v4, v1  }
.Ltmp5:
0x57: {  	(pc) =	sbr.rel @p0 .LBB2_6-.Ltmp5, $4  }
0x58: {  	s25 =	sshra.s32 s10, $0x2;
	s10 =	smov.u32 s12;
	v3 =	vsel vm0, v3, v4  }
0x59: {  	s13 =	sadd.s32 $0x20, s13;
	[tilespmem:v2+s25+$0x0 ss:$0x1] =	vst.idx.msk $0xffff, v3  }
0x5a: {  	v3 =	vld [tilespmem:s13+$0xFFFFFFF0]  }
0x5b: {  	s12 =	sadd.s32 $0x40, s12;
	v4 =	vld [tilespmem:s13+$0x0]  }
0x5c: {  	_ =	sdelay $0x3  }
0x5d: {  	v5 =	vperm.xlane v3, v0;
	v6 =	vperm.xlane v4, v0  }
0x5e: {  	v3 =	vshll.u32 v3, $0x2;
	v4 =	vshll.u32 v4, $0x2  }
0x5f: {  	v3 =	vadd.s32 v3, v5;
	v4 =	vadd.s32 v4, v6  }
0x60: {  	v3 =	vperm.xlane v3, v1;
	v4 =	vperm.xlane v4, v1;
	_ =	sdelay $0x1  }
0x61: {  	s10 =	sshra.s32 s10, $0x2;
	p0 =	seq.s32 s31, $0x7;
	v3 =	vsel vm0, v3, v4  }
0x62: {  	[tilespmem:v2+s10+$0x0 ss:$0x1] =	vst.idx.msk $0xffff, v3;
	s10 =	smul.u32 @!p0 $0x640, s31  }
0x63: {  	s9 =	sadd.s32 s0, s9;
	_ =	swait.ge [sflag:s21], $0xC800  }
0x64: {  	s12 =	simm.s32 @!p0 $0xC8;
	[sflag:s21] =	ssyncset.done $0x0;
	s10 =	sshra.s32 @!p0 s10, $0x2  }
0x65: {  	s13 =	simm.s32 @!p0 $0x4B00;
	[sflag:s21] =	ssyncadd.s32 $0xFFFF3800;
	s10 =	sadd.s32 @!p0 $0x3390, s10  }
0x66: {  	[tilespmem:s13], [sflag:$0x1] =	stream.indirect.gather @!p0 [spmem:s8], $0x100, s10, s12, $0xb8;
	[tilespmem:$0x1EB00] =	vst v63  }
0x67: {  	s9 =	sshll.u32 s9, $0x5;
	_ =	swait.ge [sflag:s22], $0xC800  }
0x68: {  	s9 =	sand.u32 $0x1FFFFF00, s9;
	[sflag:s22] =	ssyncset.done $0x0  }
0x69: {  	s25 =	sadd.s32 s4, s9;
	s9 =	simm.s32 $0x0;
	[sflag:s22] =	ssyncadd.s32 $0xFFFF3800  }
0x6a: {  	[hbm4b:s25+s9] =	stream.linear.scatter [tilespmem:s19], [sflag:$0x4], $0xC800, $0x38;
	[tilespmem:$0x1EB00] =	vst v63  }
0x6b: {  	v3 =	vld [tilespmem:s5+$0xFFFFFFF0]  }
0x6c: {  	v2 =	vmov s30;
	s10 =	simm.s32 $0x40;
	s12 =	smov.u32 s5;
	v4 =	vld [tilespmem:s5+$0x0]  }
.LBB2_8:
0x6d: {  	p0 =	sne.s32 s10, $0x300;
	_ =	sdelay $0x3  }
0x6e: {  	v5 =	vperm.xlane v3, v0;
	v6 =	vperm.xlane v4, v0  }
0x6f: {  	v3 =	vshll.u32 v3, $0x2;
	v4 =	vshll.u32 v4, $0x2  }
0x70: {  	v3 =	vadd.s32 v3, v5;
	v4 =	vadd.s32 v4, v6  }
0x71: {  	v3 =	vperm.xlane v3, v1;
	v4 =	vperm.xlane v4, v1  }
.Ltmp6:
0x72: {  	(pc) =	sbr.rel @p0 .LBB2_8-.Ltmp6, $4  }
0x73: {  	s13 =	sshra.s32 s9, $0x2;
	s9 =	smov.u32 s10;
	v3 =	vsel vm0, v3, v4  }
0x74: {  	s12 =	sadd.s32 $0x20, s12;
	[tilespmem:v2+s13+$0x0 ss:$0x1] =	vst.idx.msk $0xffff, v3  }
0x75: {  	v3 =	vld [tilespmem:s12+$0xFFFFFFF0]  }
0x76: {  	s10 =	sadd.s32 $0x40, s10;
	v4 =	vld [tilespmem:s12+$0x0]  }
0x77: {  	_ =	sdelay $0x3  }
0x78: {  	s31 =	sadd.s32 $0x1, s31;
	v5 =	vperm.xlane v3, v0;
	v6 =	vperm.xlane v4, v0  }
0x79: {  	p0 =	sne.s32 s31, $0x8;
	v3 =	vshll.u32 v3, $0x2;
	v63 =	vshll.u32 v4, $0x2  }
.Ltmp7:
0x7a: {  	v3 =	vadd.s32 v3, v5;
	v4 =	vadd.s32 v63, v6;
	(pc) =	sbr.rel @p0 .LBB2_5-.Ltmp7, $3  }
0x7b: {  	v3 =	vperm.xlane v3, v1;
	v4 =	vperm.xlane v4, v1;
	_ =	sdelay $0x1  }
0x7c: {  	s9 =	sshra.s32 s9, $0x2;
	s2 =	sadd.s32 $0x320, s2;
	v3 =	vsel vm0, v3, v4  }
0x7d: {  	s3 =	sadd.s32 $0x190, s3;
	s5 =	sadd.s32 $0x320, s5;
	s30 =	sadd.s32 $0x190, s30;
	[tilespmem:v2+s9+$0x0 ss:$0x1] =	vst.idx.msk $0xffff, v3  }
0x7e: {  	_ =	swait.ge [sflag:s23], $0xC800  }
0x7f: {  	p0 =	seq.s32 s28, $0x7;
	[sflag:s23] =	ssyncset.done $0x0  }
0x80: {  	s0 =	smul.u32 @!p0 $0x3200, s28;
	[sflag:s23] =	ssyncadd.s32 $0xFFFF3800  }
0x81: {  	[tilespmem:s17], [sflag:$0x1] =	stream.indirect.gather [spmem:s8], $0x100, s24, s15, $0xb8;
	[tilespmem:$0x1EB00] =	vst v63  }
0x82: {  	s0 =	sadd.s32 @!p0 s0, s11  }
0x83: {  	s0 =	sshrl.u32 @!p0 s0, $0x3  }
0x84: {  	s2 =	simm.s32 @!p0 $0x0;
	s0 =	sadd.s32 @!p0 s1, s0  }
0x85: {  	[tilespmem:s2], [sflag:$0x5] =	stream.linear.gather @!p0 [hbm4b:s0+s2], $0x1900, $0x38;
	[tilespmem:$0x1EB00] =	vst v63  }
.Ltmp8:
0x86: {  	_ = 	snop;
	(pc) =	sbr.rel .LBB2_11-.Ltmp8, $4  }
0x87: {  	s31 =	smul.u32 $0xC80, s29;
	s30 =	simm.s32 $0x0;
	s0 =	simm.s32 @!p0 $0x5  }
0x88: {  	s13 =	simm.s32 $0x10;
	s3 =	simm.s32 $0x190;
	_ =	swait.ge @!p0 [sflag:s0], $0x1900  }
0x89: {  	s5 =	simm.s32 $0x0;
	s29 =	sadd.s32 s7, s31;
	[sflag:s0] =	ssyncset.done @!p0 $0x0  }
0x8a: {  	s2 =	simm.s32 $0x32C0;
	[sflag:s0] =	ssyncadd.s32 @!p0 $0xFFFFE700;
	s0 =	simm.s32 $0x3200  }
.LBB2_18:
0x8b: {  	v4 =	vperm.xlane v2, v0;
	v5 =	vperm.xlane v3, v0  }
0x8c: {  	v2 =	vshll.u32 v2, $0x2;
	v3 =	vshll.u32 v3, $0x2  }
0x8d: {  	v2 =	vadd.s32 v2, v4;
	v3 =	vadd.s32 v3, v5  }
0x8e: {  	v2 =	vperm.xlane v2, v1;
	v3 =	vperm.xlane v3, v1  }
0x8f: {  	s9 =	sshra.s32 s9, $0x2  }
0x90: {  	s9 =	sadd.s32 s9, s2;
	v2 =	vsel vm0, v2, v3  }
0x91: {  	[tilespmem:s9+$0x0] =	vst v2  }
.LBB2_19:
0x92: {  	s5 =	sadd.s32 $0x1, s5  }
0x93: {  	p1 =	sne.s32 s5, $0x8  }
.Ltmp9:
0x94: {  	_ = 	snop;
	(pc) =	sbr.rel @!p1 .LBB2_20-.Ltmp9, $3  }
0x95: {  	_ =	sdelay $0x1  }
0x96: {  	s13 =	sadd.s32 $0x320, s13  }
0x97: {  	s0 =	sadd.s32 $0x190, s0;
	s3 =	sadd.s32 $0x320, s3;
	s2 =	sadd.s32 $0x190, s2  }
.LBB2_11:
0x98: {  	p1 =	seq.s32 s5, $0x0  }
0x99: {  	s10 =	simm.s32 @!p1 $0x4  }
0x9a: {  	s9 =	smul.u32 $0x190, s5;
	_ =	swait.ge @!p1 [sflag:s10], $0xC800  }
0x9b: {  	[sflag:s10] =	ssyncset.done @!p1 $0x0  }
0x9c: {  	s25 =	sadd.s32 $0x3F48, s9;
	[sflag:s10] =	ssyncadd.s32 @!p1 $0xFFFF3800  }
0x9d: {  	[tilespmem:s19], [sflag:$0x2] =	stream.indirect.gather [spmem:s8], $0x100, s25, s15, $0xb8;
	[tilespmem:$0x1EB00] =	vst v63  }
.Ltmp10:
0x9e: {  	s31 =	sadd.s32 s29, s9;
	(pc) =	sbr.rel @p0 .LBB2_15-.Ltmp10, $4  }
0x9f: {  	s10 =	sshll.u32 s31, $0x5;
	_ =	swait.ge [sflag:s20], $0xC800  }
0xa0: {  	s10 =	sand.u32 $0x1FFFFE00, s10;
	[sflag:s20] =	ssyncset.done $0x0  }
0xa1: {  	s10 =	sadd.s32 s4, s10;
	[sflag:s20] =	ssyncadd.s32 $0xFFFF3800  }
0xa2: {  	[hbm4b:s10+s30] =	stream.linear.scatter [tilespmem:s17], [sflag:$0x3], $0xC800, $0x38;
	[tilespmem:$0x1EB00] =	vst v63  }
0xa3: {  	v2 =	vld [tilespmem:s13+$0xFFFFFFF0]  }
0xa4: {  	v3 =	vld [tilespmem:s13+$0x0];
	s12 =	simm.s32 $0x40;
	s10 =	simm.s32 $0x0;
	s31 =	smov.u32 s13  }
.LBB2_13:
0xa5: {  	p1 =	sne.s32 s12, $0x2C0;
	_ =	sdelay $0x3  }
0xa6: {  	v4 =	vperm.xlane v2, v0;
	v5 =	vperm.xlane v3, v0  }
0xa7: {  	v2 =	vshll.u32 v2, $0x2;
	v3 =	vshll.u32 v3, $0x2  }
0xa8: {  	v2 =	vadd.s32 v2, v4;
	v3 =	vadd.s32 v3, v5  }
0xa9: {  	v2 =	vperm.xlane v2, v1;
	v3 =	vperm.xlane v3, v1  }
.Ltmp11:
0xaa: {  	s25 =	sshra.s32 s10, $0x2;
	s10 =	smov.u32 s12;
	(pc) =	sbr.rel @p1 .LBB2_13-.Ltmp11, $4  }
0xab: {  	s25 =	sadd.s32 s25, s0;
	v2 =	vsel vm0, v2, v3  }
0xac: {  	s31 =	sadd.s32 $0x20, s31;
	[tilespmem:s25+$0x0] =	vst v2  }
0xad: {  	v2 =	vld [tilespmem:s31+$0xFFFFFFF0]  }
0xae: {  	s12 =	sadd.s32 $0x40, s12;
	v3 =	vld [tilespmem:s31+$0x0]  }
0xaf: {  	_ =	sdelay $0x3  }
0xb0: {  	v4 =	vperm.xlane v2, v0;
	v5 =	vperm.xlane v3, v0  }
0xb1: {  	v2 =	vshll.u32 v2, $0x2;
	v3 =	vshll.u32 v3, $0x2  }
0xb2: {  	v2 =	vadd.s32 v2, v4;
	v3 =	vadd.s32 v3, v5  }
0xb3: {  	v2 =	vperm.xlane v2, v1;
	v3 =	vperm.xlane v3, v1  }
0xb4: {  	s10 =	sshra.s32 s10, $0x2  }
0xb5: {  	s10 =	sadd.s32 s10, s0;
	v2 =	vsel vm0, v2, v3  }
0xb6: {  	[tilespmem:s10+$0x0] =	vst v2  }
.LBB2_15:
0xb7: {  	p1 =	seq.s32 s5, $0x7  }
0xb8: {  	s10 =	smul.u32 @!p1 $0x640, s5  }
0xb9: {  	_ =	swait.ge [sflag:s21], $0xC800;
	s9 =	sadd.s32 $0xC8, s9  }
0xba: {  	[sflag:s21] =	ssyncset.done $0x0;
	s12 =	simm.s32 @!p1 $0xC8;
	s10 =	sshra.s32 @!p1 s10, $0x2  }
0xbb: {  	s25 =	simm.s32 @!p1 $0x4B00;
	[sflag:s21] =	ssyncadd.s32 $0xFFFF3800;
	s10 =	sadd.s32 @!p1 $0x4010, s10  }
0xbc: {  	[tilespmem:s25], [sflag:$0x1] =	stream.indirect.gather @!p1 [spmem:s8], $0x100, s10, s12, $0xb8;
	[tilespmem:$0x1EB00] =	vst v63  }
.Ltmp12:
0xbd: {  	s9 =	sadd.s32 s29, s9;
	(pc) =	sbr.rel @p0 .LBB2_19-.Ltmp12, $4  }
0xbe: {  	s9 =	sshll.u32 s9, $0x5;
	_ =	swait.ge [sflag:s22], $0xC800  }
0xbf: {  	s9 =	sand.u32 $0x1FFFFF00, s9;
	[sflag:s22] =	ssyncset.done $0x0  }
0xc0: {  	s31 =	sadd.s32 s4, s9;
	s9 =	simm.s32 $0x0;
	[sflag:s22] =	ssyncadd.s32 $0xFFFF3800  }
0xc1: {  	[hbm4b:s31+s9] =	stream.linear.scatter [tilespmem:s19], [sflag:$0x4], $0xC800, $0x38;
	[tilespmem:$0x1EB00] =	vst v63  }
0xc2: {  	v2 =	vld [tilespmem:s3+$0xFFFFFFF0]  }
0xc3: {  	v3 =	vld [tilespmem:s3+$0x0];
	s10 =	simm.s32 $0x40;
	s12 =	smov.u32 s3  }
.LBB2_17:
0xc4: {  	p1 =	sne.s32 s10, $0x300;
	_ =	sdelay $0x3  }
0xc5: {  	v4 =	vperm.xlane v2, v0;
	v5 =	vperm.xlane v3, v0  }
0xc6: {  	v2 =	vshll.u32 v2, $0x2;
	v3 =	vshll.u32 v3, $0x2  }
0xc7: {  	v2 =	vadd.s32 v2, v4;
	v3 =	vadd.s32 v3, v5  }
0xc8: {  	v2 =	vperm.xlane v2, v1;
	v3 =	vperm.xlane v3, v1  }
.Ltmp13:
0xc9: {  	s25 =	sshra.s32 s9, $0x2;
	s9 =	smov.u32 s10;
	(pc) =	sbr.rel @p1 .LBB2_17-.Ltmp13, $4  }
0xca: {  	s25 =	sadd.s32 s25, s2;
	v2 =	vsel vm0, v2, v3  }
0xcb: {  	s12 =	sadd.s32 $0x20, s12;
	[tilespmem:s25+$0x0] =	vst v2  }
0xcc: {  	v2 =	vld [tilespmem:s12+$0xFFFFFFF0]  }
0xcd: {  	s10 =	sadd.s32 $0x40, s10;
	v3 =	vld [tilespmem:s12+$0x0]  }
.Ltmp14:
0xce: {  	_ = 	snop;
	(pc) =	sbr.rel .LBB2_18-.Ltmp14, $1  }
0xcf: {  	_ =	sdelay $0x3  }
.LBB2_22:
0xd0: {  	_ =	sfence.sel $0x180000  }
0xd1: {  	[bflag:$0x0] =	sbarrier.arrive $0xFFFF  }
0xd2: {  	_ =	strace $0x90000047  }
0xd3: {  	s0 =	stileid.u32;
	[bflag:$0x2] =	sbarrier.arrive $0xFFFF  }
0xd4: {  	p0 =	sne.s32 s0, $0x0;
	s0 =	rddreg [dreg:$0x4]  }
0xd5: {  	s0 =	sadd.s32 @!p0 $0x100000, s0  }
0xd6: {  	[sflag:s0] =	ssyncadd.tile.s32 @!p0 $0x1;
	_ =	shalt  }
.Lfunc_end2:
_tile_overlayer_lowered:
.L_overlay_start_2:
0xd7: {  	(tag) =	ssettag $0x2  }
0xd8: {  	s0 =	rddreg [dreg:$0x0];
	s2 =	stileid.u32  }
0xd9: {  	s1 =	rddreg [dreg:$0x1];
	p0 =	sne.s32 s2, $0x0  }
0xda: {  	s3 =	rddreg [dreg:$0x2];
	[bflag:$0x3] =	sbarrier.arrive $0xFFFF;
	s2 =	simm.s32 @!p0 $0x1C05  }
0xdb: {  	[timem:s3], [sflag:s2] =	dma.local @!p0 [hbm:s0], s1  }
0xdc: {  	s0 =	simm.s32 @!p0 $0x5  }
0xdd: {  	_ =	swait.ge @!p0 [sflag:s0], s1  }
0xde: {  	s1 =	ssub.s32 @!p0 $0x0, s1;
	[sflag:s0] =	ssyncset.done @!p0 $0x0  }
0xdf: {  	[sflag:s0] =	ssyncadd.s32 @!p0 s1  }
0xe0: {  	[bflag:$0x3] =	sbarrier.arrive $0xFFFF  }
0xe1: {  	_ =	shalt  }

</sc_bundles>
